<compile_context>
chip_gen: v7x
topology: tpu7x:2x2x1
jax: 0.10.2.dev20260603
libtpu: 0.0.44.dev20260713+nightly
codegen_flags: <defaults>
</compile_context>

<pallas_src>
import functools

import jax
import jax.numpy as jnp
from jax import lax
from jax.experimental import pallas as pl
from jax.experimental.pallas import tpu as pltpu
from jax.experimental.pallas import tpu_sc as plsc

N = 50000
E = 800000
D_IN = 64
D_HID = 128
D_OUT = 10

NC = 2
NS = 16
NW = NC * NS

SL = 3136
N_PAD = NS * SL
SINK = N + 8

CHUNK = 128
E_PAD = 802816
EPW = E_PAD // NW
NCH = EPW // CHUNK
EPS = E_PAD // NS
NCH1 = EPS // CHUNK

BR = 2000
GRID = N // BR

SLC = SL // 8


def _sc_mesh():
    return plsc.VectorSubcoreMesh(core_axis_name="c", subcore_axis_name="s")


@functools.partial(
    pl.kernel,
    out_type=jax.ShapeDtypeStruct((NC * N_PAD,), jnp.float32),
    mesh=_sc_mesh(),
    compiler_params=pltpu.CompilerParams(use_tc_tiling_on_sc=False),
    scratch_types=[
        pltpu.VMEM((CHUNK,), jnp.int32),
        pltpu.VMEM((CHUNK,), jnp.float32),
        pltpu.VMEM((SL,), jnp.float32),
        pltpu.VMEM_SHARED((N_PAD,), jnp.float32),
    ],
)
def _sc_hist(dst_hbm, z_hbm, out_hbm, didx, ones, buf, acc):
    c = lax.axis_index("c")
    s = lax.axis_index("s")
    row0 = pl.multiple_of(s * SL, 8)
    pltpu.sync_copy(z_hbm.at[pl.ds(row0, SL)], buf)
    pltpu.sync_copy(buf, acc.at[pl.ds(row0, SL)])
    for k in range(CHUNK // 16):
        ones[pl.ds(16 * k, 16)] = jnp.ones((16,), jnp.float32)
    plsc.subcore_barrier()
    base = (s * NC + c) * EPW

    def body(j, carry):
        off = pl.multiple_of(base + j * CHUNK, 8)
        pltpu.sync_copy(dst_hbm.at[pl.ds(off, CHUNK)], didx)
        pltpu.sync_copy(ones, acc.at[didx], add=True)
        return carry

    lax.fori_loop(0, NCH, body, 0)
    plsc.subcore_barrier()
    obase = pl.multiple_of(c * N_PAD + row0, 8)
    pltpu.sync_copy(acc.at[pl.ds(row0, SL)], buf)
    pltpu.sync_copy(buf, out_hbm.at[pl.ds(obase, SL)])


@functools.partial(
    pl.kernel,
    out_type=jax.ShapeDtypeStruct((NC, N_PAD, 32), jnp.float32),
    mesh=_sc_mesh(),
    compiler_params=pltpu.CompilerParams(use_tc_tiling_on_sc=False),
    scratch_types=[
        pltpu.VMEM((CHUNK,), jnp.int32),
        pltpu.VMEM((CHUNK,), jnp.int32),
        pltpu.VMEM((CHUNK, 32), jnp.float32),
        pltpu.VMEM((SLC, 32), jnp.float32),
        pltpu.VMEM_SHARED((N_PAD, 32), jnp.float32),
    ],
)
def _sc_agg1(xp0_hbm, xp1_hbm, src_hbm, dst_hbm, z_hbm, out_hbm,
             sidx, didx, rows, buf, acc):
    c = lax.axis_index("c")
    s = lax.axis_index("s")
    row0 = pl.multiple_of(s * SL, 8)
    for k in range(SL // SLC):
        r = pl.multiple_of(row0 + k * SLC, 8)
        pltpu.sync_copy(z_hbm.at[pl.ds(r, SLC)], buf)
        pltpu.sync_copy(buf, acc.at[pl.ds(r, SLC)])
    plsc.subcore_barrier()
    base = s * EPS

    def body(j, carry):
        off = pl.multiple_of(base + j * CHUNK, 8)
        pltpu.sync_copy(src_hbm.at[pl.ds(off, CHUNK)], sidx)
        pltpu.sync_copy(dst_hbm.at[pl.ds(off, CHUNK)], didx)

        @pl.when(c == 0)
        def _():
            pltpu.sync_copy(xp0_hbm.at[sidx], rows)

        @pl.when(c == 1)
        def _():
            pltpu.sync_copy(xp1_hbm.at[sidx], rows)

        pltpu.sync_copy(rows, acc.at[didx], add=True)
        return carry

    lax.fori_loop(0, NCH1, body, 0)
    plsc.subcore_barrier()
    for k in range(SL // SLC):
        r = pl.multiple_of(row0 + k * SLC, 8)
        pltpu.sync_copy(acc.at[pl.ds(r, SLC)], buf)
        pltpu.sync_copy(buf, out_hbm.at[c, pl.ds(r, SLC)])


@functools.partial(
    pl.kernel,
    out_type=jax.ShapeDtypeStruct((NC, N_PAD, 16), jnp.float32),
    mesh=_sc_mesh(),
    compiler_params=pltpu.CompilerParams(use_tc_tiling_on_sc=False),
    scratch_types=[
        pltpu.VMEM((CHUNK,), jnp.int32),
        pltpu.VMEM((CHUNK,), jnp.int32),
        pltpu.VMEM((CHUNK, 16), jnp.float32),
        pltpu.VMEM((SL, 16), jnp.float32),
        pltpu.VMEM_SHARED((N_PAD, 16), jnp.float32),
    ],
)
def _sc_agg2(tp_hbm, src_hbm, dst_hbm, z_hbm, out_hbm, sidx, didx, rows, buf,
             acc):
    c = lax.axis_index("c")
    s = lax.axis_index("s")
    row0 = pl.multiple_of(s * SL, 8)
    pltpu.sync_copy(z_hbm.at[pl.ds(row0, SL)], buf)
    pltpu.sync_copy(buf, acc.at[pl.ds(row0, SL)])
    plsc.subcore_barrier()
    base = (s * NC + c) * EPW

    def body(j, carry):
        off = pl.multiple_of(base + j * CHUNK, 8)
        pltpu.sync_copy(src_hbm.at[pl.ds(off, CHUNK)], sidx)
        pltpu.sync_copy(dst_hbm.at[pl.ds(off, CHUNK)], didx)
        pltpu.sync_copy(tp_hbm.at[sidx], rows)
        pltpu.sync_copy(rows, acc.at[didx], add=True)
        return carry

    lax.fori_loop(0, NCH, body, 0)
    plsc.subcore_barrier()
    pltpu.sync_copy(acc.at[pl.ds(row0, SL)], buf)
    pltpu.sync_copy(buf, out_hbm.at[c, pl.ds(row0, SL)])


def _tc_prep_body(degp_ref, x_ref, dinv_ref, xp0_ref, xp1_ref):
    deg = degp_ref[0] + degp_ref[1] + 1.0
    dinv = lax.rsqrt(deg)
    dinv_ref[...] = dinv
    xp = x_ref[...] * dinv
    xp0_ref[...] = xp[:, :32]
    xp1_ref[...] = xp[:, 32:]


def _tc_prep(degp, x):
    return pl.pallas_call(
        _tc_prep_body,
        grid=(GRID,),
        in_specs=[
            pl.BlockSpec((NC, BR, 1), lambda i: (0, i, 0)),
            pl.BlockSpec((BR, D_IN), lambda i: (i, 0)),
        ],
        out_specs=[
            pl.BlockSpec((BR, 1), lambda i: (i, 0)),
            pl.BlockSpec((BR, 32), lambda i: (i, 0)),
            pl.BlockSpec((BR, 32), lambda i: (i, 0)),
        ],
        out_shape=[
            jax.ShapeDtypeStruct((N, 1), jnp.float32),
            jax.ShapeDtypeStruct((N, 32), jnp.float32),
            jax.ShapeDtypeStruct((N, 32), jnp.float32),
        ],
    )(degp, x)


def _tc_mid_body(a1_ref, xp0_ref, xp1_ref, dinv_ref, W1_ref, b1_ref, W2_ref,
                 tp_ref):
    dinv = dinv_ref[...]
    y0 = dinv * (a1_ref[0] + xp0_ref[...])
    y1 = dinv * (a1_ref[1] + xp1_ref[...])
    y = jnp.concatenate([y0, y1], axis=1)
    h = jnp.dot(y, W1_ref[...], preferred_element_type=jnp.float32)
    h = jnp.maximum(h + b1_ref[...], 0.0)
    t = jnp.dot(h, W2_ref[...], preferred_element_type=jnp.float32)
    tp_ref[...] = dinv * t


def _tc_mid(a1, xp0, xp1, dinv, W1, b1r, W2p):
    return pl.pallas_call(
        _tc_mid_body,
        grid=(GRID,),
        in_specs=[
            pl.BlockSpec((NC, BR, 32), lambda i: (0, i, 0)),
            pl.BlockSpec((BR, 32), lambda i: (i, 0)),
            pl.BlockSpec((BR, 32), lambda i: (i, 0)),
            pl.BlockSpec((BR, 1), lambda i: (i, 0)),
            pl.BlockSpec((D_IN, D_HID), lambda i: (0, 0)),
            pl.BlockSpec((1, D_HID), lambda i: (0, 0)),
            pl.BlockSpec((D_HID, 16), lambda i: (0, 0)),
        ],
        out_specs=pl.BlockSpec((BR, 16), lambda i: (i, 0)),
        out_shape=jax.ShapeDtypeStruct((N, 16), jnp.float32),
    )(a1, xp0, xp1, dinv, W1, b1r, W2p)


def _tc_final_body(a2_ref, tp_ref, dinv_ref, b2_ref, sz_ref, sl_ref):
    i = pl.program_id(0)
    dinv = dinv_ref[...]
    z = dinv * (a2_ref[0] + a2_ref[1] + tp_ref[...]) + b2_ref[...]
    zz = z[:, :10]
    m = jnp.max(zz, axis=1, keepdims=True)
    lse = jnp.log(jnp.sum(jnp.exp(zz - m), axis=1, keepdims=True)) + m
    psz = jnp.sum(z, axis=0, keepdims=True)
    psl = jnp.sum(lse).reshape(1, 1)

    @pl.when(i == 0)
    def _():
        sz_ref[...] = psz
        sl_ref[...] = psl

    @pl.when(i != 0)
    def _():
        sz_ref[...] += psz
        sl_ref[...] += psl


def _tc_final(a2, tp, dinv, b2r):
    return pl.pallas_call(
        _tc_final_body,
        grid=(GRID,),
        in_specs=[
            pl.BlockSpec((NC, BR, 16), lambda i: (0, i, 0)),
            pl.BlockSpec((BR, 16), lambda i: (i, 0)),
            pl.BlockSpec((BR, 1), lambda i: (i, 0)),
            pl.BlockSpec((1, 16), lambda i: (0, 0)),
        ],
        out_specs=[
            pl.BlockSpec((1, 16), lambda i: (0, 0)),
            pl.BlockSpec((1, 1), lambda i: (0, 0)),
        ],
        out_shape=[
            jax.ShapeDtypeStruct((1, 16), jnp.float32),
            jax.ShapeDtypeStruct((1, 1), jnp.float32),
        ],
    )(a2, tp, dinv, b2r)


def kernel(x, edge_index, W1, b1, W2, b2):
    src = edge_index[0]
    dst = edge_index[1]
    pad_e = E_PAD - E
    src_p = jnp.concatenate([src, jnp.zeros((pad_e,), jnp.int32)])
    dst_p = jnp.concatenate([dst, jnp.full((pad_e,), SINK, jnp.int32)])
    zeros1 = jnp.zeros((N_PAD,), jnp.float32)
    zeros32 = jnp.zeros((N_PAD, 32), jnp.float32)
    zeros16 = jnp.zeros((N_PAD, 16), jnp.float32)
    b1r = b1.reshape(1, D_HID)
    W2p = jnp.pad(W2, ((0, 0), (0, 16 - D_OUT)))
    b2r = jnp.pad(b2, (0, 16 - D_OUT)).reshape(1, 16)

    degp = _sc_hist(dst_p, zeros1)
    dinv, xp0, xp1 = _tc_prep(degp.reshape(NC, N_PAD, 1), x)
    a1 = _sc_agg1(xp0, xp1, src_p, dst_p, zeros32)
    tp = _tc_mid(a1, xp0, xp1, dinv, W1, b1r, W2p)
    a2 = _sc_agg2(tp, src_p, dst_p, zeros16)
    sz, sl = _tc_final(a2, tp, dinv, b2r)
    out = (sz[0, :D_OUT] - sl[0, 0]) / float(N)
    return out.reshape(1, D_OUT)

# --- scband reference (transcript-rebuilt; emitter-appended) ---
"""Pipeline reference for scband-gcn-44306882625626 (READ-ONLY COPY).

The authoritative reference and input builder live on the scoring server;
editing this copy changes nothing except your own understanding.
"""

import jax, jax.numpy as jnp
import numpy as np

N = 50000
E = 800000
D_IN = 64
D_HID = 128
D_OUT = 10


def setup_inputs(seed: int = 0) -> dict:
    key = jax.random.key(seed)
    k1, k2, k3, k4, k5, k6 = jax.random.split(key, 6)
    x = jax.random.normal(k1, (N, D_IN), dtype=jnp.float32)
    edge_index = jax.random.randint(k2, (2, E), 0, N, dtype=jnp.int32)
    W1 = jax.random.normal(k3, (D_IN, D_HID), dtype=jnp.float32) * (1.0 / np.sqrt(D_IN))
    b1 = jnp.zeros((D_HID,), dtype=jnp.float32)
    W2 = jax.random.normal(k4, (D_HID, D_OUT), dtype=jnp.float32) * (1.0 / np.sqrt(D_HID))
    b2 = jnp.zeros((D_OUT,), dtype=jnp.float32)
    return {"x": x, "edge_index": edge_index, "W1": W1, "b1": b1, "W2": W2, "b2": b2}


def gcn_conv(x, edge_index, W, b):
    n = x.shape[0]
    h = x @ W
    loops = jnp.arange(n, dtype=edge_index.dtype)
    src = jnp.concatenate([edge_index[0], loops])
    dst = jnp.concatenate([edge_index[1], loops])
    deg = jax.ops.segment_sum(jnp.ones_like(src, dtype=h.dtype), dst, num_segments=n)
    dinv = jnp.where(deg > 0, deg ** -0.5, 0.0)
    norm = dinv[src] * dinv[dst]
    msg = h[src] * norm[:, None]
    out = jax.ops.segment_sum(msg, dst, num_segments=n)
    return out + b


def reference(x, edge_index, W1, b1, W2, b2):
    h = gcn_conv(x, edge_index, W1, b1)
    h = jax.nn.relu(h)
    # dropout with training=False -> identity (eval mode)
    h = gcn_conv(h, edge_index, W2, b2)
    h = jax.nn.log_softmax(h, axis=1)
    out = jnp.sum(h.T, axis=1) / h.shape[0]
    return jnp.reshape(out, (1, D_OUT))

if __name__ == "__main__":
    import jax
    _d = setup_inputs()
    print(jax.jit(kernel)(*tuple(_d.values())))

</pallas_src>

<mosaic_0001>
#map = affine_map<(d0, d1) -> (0)>
module attributes {stable_mosaic.version = 14 : i64} {
  func.func @_sc_hist(%arg0: i32, %arg1: i32, %arg2: memref<802816xi32, #tpu.memory_space<hbm>>, %arg3: memref<50176xf32, #tpu.memory_space<hbm>>, %arg4: memref<100352xf32, #tpu.memory_space<hbm>>, %arg5: memref<128xi32, #tpu.memory_space<vmem>>, %arg6: memref<128xf32, #tpu.memory_space<vmem>>, %arg7: memref<3136xf32, #tpu.memory_space<vmem>>, %arg8: memref<50176xf32, #tpu.memory_space<vmem_shared>>) attributes {dimension_semantics = [#tpu.dimension_semantics<core_parallel>, #tpu.dimension_semantics<subcore_parallel>], iteration_bounds = array<i64: 2, 16>, scalar_prefetch = 0 : i64, scratch_operands = 4 : i64, tpu.core_type = #tpu.core_type<sc_vector_subcore>, window_params = [{transform_indices = #map}, {transform_indices = #map}, {transform_indices = #map}]} {
    %mul3A = arith.constant 3136 : i32
    %mul3A_0 = arith.muli %arg1, %mul3A : i32
    %multiple_of3A = tpu.assume_multiple %mul3A_0, 8 : i32
    "tpu.region"() ({
      %run_scoped3A = tpu.sem_alloc : memref<!tpu.dma_semaphore, #tpu.memory_space<semaphore_mem>>
      %dma_start3A = tpu.memref_slice %arg3[%multiple_of3A] : memref<50176xf32, #tpu.memory_space<hbm>> -> memref<3136xf32, #tpu.memory_space<hbm>>
      %dma_start3A_61 = tpu.memref_slice %arg3[%multiple_of3A] : memref<50176xf32, #tpu.memory_space<hbm>> -> memref<3136xf32, #tpu.memory_space<hbm>>
      tpu.enqueue_dma source(%dma_start3A_61 : memref<3136xf32, #tpu.memory_space<hbm>>) target(%arg7 : memref<3136xf32, #tpu.memory_space<vmem>>) target_semaphore(%run_scoped3A : memref<!tpu.dma_semaphore, #tpu.memory_space<semaphore_mem>>)
      %dma_wait3A = tpu.memref_slice %arg3[%multiple_of3A] : memref<50176xf32, #tpu.memory_space<hbm>> -> memref<3136xf32, #tpu.memory_space<hbm>>
      %dma_wait3A_62 = tpu.memref_slice %arg3[%multiple_of3A] : memref<50176xf32, #tpu.memory_space<hbm>> -> memref<3136xf32, #tpu.memory_space<hbm>>
      tpu.wait_dma2 semaphore(%run_scoped3A : memref<!tpu.dma_semaphore, #tpu.memory_space<semaphore_mem>>) src(%dma_wait3A_62 : memref<3136xf32, #tpu.memory_space<hbm>>) dst(%arg7 : memref<3136xf32, #tpu.memory_space<vmem>>)
      tpu.yield
    }) : () -> ()
    "tpu.region"() ({
      %run_scoped3A = tpu.sem_alloc : memref<!tpu.dma_semaphore, #tpu.memory_space<semaphore_mem>>
      %dma_start3A = tpu.memref_slice %arg8[%multiple_of3A] : memref<50176xf32, #tpu.memory_space<vmem_shared>> -> memref<3136xf32, #tpu.memory_space<vmem_shared>>
      %dma_start3A_61 = tpu.memref_slice %arg8[%multiple_of3A] : memref<50176xf32, #tpu.memory_space<vmem_shared>> -> memref<3136xf32, #tpu.memory_space<vmem_shared>>
      tpu.enqueue_dma source(%arg7 : memref<3136xf32, #tpu.memory_space<vmem>>) target(%dma_start3A_61 : memref<3136xf32, #tpu.memory_space<vmem_shared>>) target_semaphore(%run_scoped3A : memref<!tpu.dma_semaphore, #tpu.memory_space<semaphore_mem>>)
      %dma_wait3A = tpu.memref_slice %arg8[%multiple_of3A] : memref<50176xf32, #tpu.memory_space<vmem_shared>> -> memref<3136xf32, #tpu.memory_space<vmem_shared>>
      %dma_wait3A_62 = tpu.memref_slice %arg8[%multiple_of3A] : memref<50176xf32, #tpu.memory_space<vmem_shared>> -> memref<3136xf32, #tpu.memory_space<vmem_shared>>
      tpu.wait_dma2 semaphore(%run_scoped3A : memref<!tpu.dma_semaphore, #tpu.memory_space<semaphore_mem>>) src(%arg7 : memref<3136xf32, #tpu.memory_space<vmem>>) dst(%dma_wait3A_62 : memref<3136xf32, #tpu.memory_space<vmem_shared>>)
      tpu.yield
    }) : () -> ()
    %broadcast_in_dim3A = arith.constant 1.000000e+00 : f32
    %broadcast_in_dim3A_1 = vector.broadcast %broadcast_in_dim3A : f32 to vector<16xf32>
    %swap3A = arith.constant 0 : index
    %swap3A_2 = tpu.vector_load %arg6[%swap3A] {strides = array<i32>} : memref<128xf32, #tpu.memory_space<vmem>>, vector<16xf32>,
    %swap3A_3 = vector.shape_cast %swap3A_2 : vector<16xf32> to vector<16xf32>
    %swap3A_4 = vector.shape_cast %broadcast_in_dim3A_1 : vector<16xf32> to vector<16xf32>
    tpu.vector_store %arg6[%swap3A], %swap3A_4 {strides = array<i32>} : memref<128xf32, #tpu.memory_space<vmem>>, vector<16xf32>,
    %broadcast_in_dim3A_5 = arith.constant 1.000000e+00 : f32
    %broadcast_in_dim3A_6 = vector.broadcast %broadcast_in_dim3A_5 : f32 to vector<16xf32>
    %swap3A_7 = arith.constant 16 : index
    %swap3A_8 = tpu.vector_load %arg6[%swap3A_7] {strides = array<i32>} : memref<128xf32, #tpu.memory_space<vmem>>, vector<16xf32>,
    %swap3A_9 = vector.shape_cast %swap3A_8 : vector<16xf32> to vector<16xf32>
    %swap3A_10 = vector.shape_cast %broadcast_in_dim3A_6 : vector<16xf32> to vector<16xf32>
    tpu.vector_store %arg6[%swap3A_7], %swap3A_10 {strides = array<i32>} : memref<128xf32, #tpu.memory_space<vmem>>, vector<16xf32>,
    %broadcast_in_dim3A_11 = arith.constant 1.000000e+00 : f32
    %broadcast_in_dim3A_12 = vector.broadcast %broadcast_in_dim3A_11 : f32 to vector<16xf32>
    %swap3A_13 = arith.constant 32 : index
    %swap3A_14 = tpu.vector_load %arg6[%swap3A_13] {strides = array<i32>} : memref<128xf32, #tpu.memory_space<vmem>>, vector<16xf32>,
    %swap3A_15 = vector.shape_cast %swap3A_14 : vector<16xf32> to vector<16xf32>
    %swap3A_16 = vector.shape_cast %broadcast_in_dim3A_12 : vector<16xf32> to vector<16xf32>
    tpu.vector_store %arg6[%swap3A_13], %swap3A_16 {strides = array<i32>} : memref<128xf32, #tpu.memory_space<vmem>>, vector<16xf32>,
    %broadcast_in_dim3A_17 = arith.constant 1.000000e+00 : f32
    %broadcast_in_dim3A_18 = vector.broadcast %broadcast_in_dim3A_17 : f32 to vector<16xf32>
    %swap3A_19 = arith.constant 48 : index
    %swap3A_20 = tpu.vector_load %arg6[%swap3A_19] {strides = array<i32>} : memref<128xf32, #tpu.memory_space<vmem>>, vector<16xf32>,
    %swap3A_21 = vector.shape_cast %swap3A_20 : vector<16xf32> to vector<16xf32>
    %swap3A_22 = vector.shape_cast %broadcast_in_dim3A_18 : vector<16xf32> to vector<16xf32>
    tpu.vector_store %arg6[%swap3A_19], %swap3A_22 {strides = array<i32>} : memref<128xf32, #tpu.memory_space<vmem>>, vector<16xf32>,
    %broadcast_in_dim3A_23 = arith.constant 1.000000e+00 : f32
    %broadcast_in_dim3A_24 = vector.broadcast %broadcast_in_dim3A_23 : f32 to vector<16xf32>
    %swap3A_25 = arith.constant 64 : index
    %swap3A_26 = tpu.vector_load %arg6[%swap3A_25] {strides = array<i32>} : memref<128xf32, #tpu.memory_space<vmem>>, vector<16xf32>,
    %swap3A_27 = vector.shape_cast %swap3A_26 : vector<16xf32> to vector<16xf32>
    %swap3A_28 = vector.shape_cast %broadcast_in_dim3A_24 : vector<16xf32> to vector<16xf32>
    tpu.vector_store %arg6[%swap3A_25], %swap3A_28 {strides = array<i32>} : memref<128xf32, #tpu.memory_space<vmem>>, vector<16xf32>,
    %broadcast_in_dim3A_29 = arith.constant 1.000000e+00 : f32
    %broadcast_in_dim3A_30 = vector.broadcast %broadcast_in_dim3A_29 : f32 to vector<16xf32>
    %swap3A_31 = arith.constant 80 : index
    %swap3A_32 = tpu.vector_load %arg6[%swap3A_31] {strides = array<i32>} : memref<128xf32, #tpu.memory_space<vmem>>, vector<16xf32>,
    %swap3A_33 = vector.shape_cast %swap3A_32 : vector<16xf32> to vector<16xf32>
    %swap3A_34 = vector.shape_cast %broadcast_in_dim3A_30 : vector<16xf32> to vector<16xf32>
    tpu.vector_store %arg6[%swap3A_31], %swap3A_34 {strides = array<i32>} : memref<128xf32, #tpu.memory_space<vmem>>, vector<16xf32>,
    %broadcast_in_dim3A_35 = arith.constant 1.000000e+00 : f32
    %broadcast_in_dim3A_36 = vector.broadcast %broadcast_in_dim3A_35 : f32 to vector<16xf32>
    %swap3A_37 = arith.constant 96 : index
    %swap3A_38 = tpu.vector_load %arg6[%swap3A_37] {strides = array<i32>} : memref<128xf32, #tpu.memory_space<vmem>>, vector<16xf32>,
    %swap3A_39 = vector.shape_cast %swap3A_38 : vector<16xf32> to vector<16xf32>
    %swap3A_40 = vector.shape_cast %broadcast_in_dim3A_36 : vector<16xf32> to vector<16xf32>
    tpu.vector_store %arg6[%swap3A_37], %swap3A_40 {strides = array<i32>} : memref<128xf32, #tpu.memory_space<vmem>>, vector<16xf32>,
    %broadcast_in_dim3A_41 = arith.constant 1.000000e+00 : f32
    %broadcast_in_dim3A_42 = vector.broadcast %broadcast_in_dim3A_41 : f32 to vector<16xf32>
    %swap3A_43 = arith.constant 112 : index
    %swap3A_44 = tpu.vector_load %arg6[%swap3A_43] {strides = array<i32>} : memref<128xf32, #tpu.memory_space<vmem>>, vector<16xf32>,
    %swap3A_45 = vector.shape_cast %swap3A_44 : vector<16xf32> to vector<16xf32>
    %swap3A_46 = vector.shape_cast %broadcast_in_dim3A_42 : vector<16xf32> to vector<16xf32>
    tpu.vector_store %arg6[%swap3A_43], %swap3A_46 {strides = array<i32>} : memref<128xf32, #tpu.memory_space<vmem>>, vector<16xf32>,
    %barrier3A = arith.constant 0 : index
    tpu.barrier barrier_id(%barrier3A)
    %mul3A_47 = arith.constant 2 : i32
    %mul3A_48 = arith.muli %arg1, %mul3A_47 : i32
    %add3A = arith.addi %mul3A_48, %arg0 : i32
    %mul3A_49 = arith.constant 25088 : i32
    %mul3A_50 = arith.muli %add3A, %mul3A_49 : i32
    %scan3A = arith.constant 0 : i32
    %scan3A_51 = arith.constant 0 : i32
    %scan3A_52 = arith.constant 196 : i32
    %scan3A_53 = arith.addi %scan3A_51, %scan3A_52 : i32
    %scan3A_54 = arith.constant 1 : i32
    scf.for %scan3A_61 = %scan3A_51 to %scan3A_53 step %scan3A_54  : i32 {
      %mul3A_62 = arith.constant 128 : i32
      %mul3A_63 = arith.muli %scan3A_61, %mul3A_62 : i32
      %add3A_64 = arith.addi %mul3A_50, %mul3A_63 : i32
      %multiple_of3A_65 = tpu.assume_multiple %add3A_64, 8 : i32
      "tpu.region"() ({
        %run_scoped3A = tpu.sem_alloc : memref<!tpu.dma_semaphore, #tpu.memory_space<semaphore_mem>>
        %dma_start3A = tpu.memref_slice %arg2[%multiple_of3A_65] : memref<802816xi32, #tpu.memory_space<hbm>> -> memref<128xi32, #tpu.memory_space<hbm>>
        %dma_start3A_66 = tpu.memref_slice %arg2[%multiple_of3A_65] : memref<802816xi32, #tpu.memory_space<hbm>> -> memref<128xi32, #tpu.memory_space<hbm>>
        tpu.enqueue_dma source(%dma_start3A_66 : memref<128xi32, #tpu.memory_space<hbm>>) target(%arg5 : memref<128xi32, #tpu.memory_space<vmem>>) target_semaphore(%run_scoped3A : memref<!tpu.dma_semaphore, #tpu.memory_space<semaphore_mem>>)
        %dma_wait3A = tpu.memref_slice %arg2[%multiple_of3A_65] : memref<802816xi32, #tpu.memory_space<hbm>> -> memref<128xi32, #tpu.memory_space<hbm>>
        %dma_wait3A_67 = tpu.memref_slice %arg2[%multiple_of3A_65] : memref<802816xi32, #tpu.memory_space<hbm>> -> memref<128xi32, #tpu.memory_space<hbm>>
        tpu.wait_dma2 semaphore(%run_scoped3A : memref<!tpu.dma_semaphore, #tpu.memory_space<semaphore_mem>>) src(%dma_wait3A_67 : memref<128xi32, #tpu.memory_space<hbm>>) dst(%arg5 : memref<128xi32, #tpu.memory_space<vmem>>)
        tpu.yield
      }) : () -> ()
      "tpu.region"() ({
        %run_scoped3A = tpu.sem_alloc : memref<!tpu.dma_semaphore, #tpu.memory_space<semaphore_mem>>
        %dma_start3A = arith.constant 0 : i32
        %dma_start3A_66 = tpu.memref_slice %arg8[%dma_start3A] : memref<50176xf32, #tpu.memory_space<vmem_shared>> -> memref<50176xf32, #tpu.memory_space<vmem_shared>>
        tpu.enqueue_indirect_dma source(%arg6 : memref<128xf32, #tpu.memory_space<vmem>>) target(%dma_start3A_66 : memref<50176xf32, #tpu.memory_space<vmem_shared>>) offsets(%arg5 : memref<128xi32, #tpu.memory_space<vmem>>) semaphore(%run_scoped3A : memref<!tpu.dma_semaphore, #tpu.memory_space<semaphore_mem>>) {add = true}
        %dma_wait3A = arith.constant 0 : i32
        %dma_wait3A_67 = tpu.memref_slice %arg8[%dma_wait3A] : memref<50176xf32, #tpu.memory_space<vmem_shared>> -> memref<50176xf32, #tpu.memory_space<vmem_shared>>
        tpu.wait_indirect_dma semaphore(%run_scoped3A : memref<!tpu.dma_semaphore, #tpu.memory_space<semaphore_mem>>) src(%arg6 : memref<128xf32, #tpu.memory_space<vmem>>) dst(%dma_wait3A_67 : memref<50176xf32, #tpu.memory_space<vmem_shared>>)
        tpu.yield
      }) : () -> ()
    }
    %scan3A_55 = arith.constant 196 : i32
    %barrier3A_56 = arith.constant 0 : index
    tpu.barrier barrier_id(%barrier3A_56)
    %mul3A_57 = arith.constant 50176 : i32
    %mul3A_58 = arith.muli %arg0, %mul3A_57 : i32
    %add3A_59 = arith.addi %mul3A_58, %multiple_of3A : i32
    %multiple_of3A_60 = tpu.assume_multiple %add3A_59, 8 : i32
    "tpu.region"() ({
      %run_scoped3A = tpu.sem_alloc : memref<!tpu.dma_semaphore, #tpu.memory_space<semaphore_mem>>
      %dma_start3A = tpu.memref_slice %arg8[%multiple_of3A] : memref<50176xf32, #tpu.memory_space<vmem_shared>> -> memref<3136xf32, #tpu.memory_space<vmem_shared>>
      %dma_start3A_61 = tpu.memref_slice %arg8[%multiple_of3A] : memref<50176xf32, #tpu.memory_space<vmem_shared>> -> memref<3136xf32, #tpu.memory_space<vmem_shared>>
      tpu.enqueue_dma source(%dma_start3A_61 : memref<3136xf32, #tpu.memory_space<vmem_shared>>) target(%arg7 : memref<3136xf32, #tpu.memory_space<vmem>>) target_semaphore(%run_scoped3A : memref<!tpu.dma_semaphore, #tpu.memory_space<semaphore_mem>>)
      %dma_wait3A = tpu.memref_slice %arg8[%multiple_of3A] : memref<50176xf32, #tpu.memory_space<vmem_shared>> -> memref<3136xf32, #tpu.memory_space<vmem_shared>>
      %dma_wait3A_62 = tpu.memref_slice %arg8[%multiple_of3A] : memref<50176xf32, #tpu.memory_space<vmem_shared>> -> memref<3136xf32, #tpu.memory_space<vmem_shared>>
      tpu.wait_dma2 semaphore(%run_scoped3A : memref<!tpu.dma_semaphore, #tpu.memory_space<semaphore_mem>>) src(%dma_wait3A_62 : memref<3136xf32, #tpu.memory_space<vmem_shared>>) dst(%arg7 : memref<3136xf32, #tpu.memory_space<vmem>>)
      tpu.yield
    }) : () -> ()
    "tpu.region"() ({
      %run_scoped3A = tpu.sem_alloc : memref<!tpu.dma_semaphore, #tpu.memory_space<semaphore_mem>>
      %dma_start3A = tpu.memref_slice %arg4[%multiple_of3A_60] : memref<100352xf32, #tpu.memory_space<hbm>> -> memref<3136xf32, #tpu.memory_space<hbm>>
      %dma_start3A_61 = tpu.memref_slice %arg4[%multiple_of3A_60] : memref<100352xf32, #tpu.memory_space<hbm>> -> memref<3136xf32, #tpu.memory_space<hbm>>
      tpu.enqueue_dma source(%arg7 : memref<3136xf32, #tpu.memory_space<vmem>>) target(%dma_start3A_61 : memref<3136xf32, #tpu.memory_space<hbm>>) target_semaphore(%run_scoped3A : memref<!tpu.dma_semaphore, #tpu.memory_space<semaphore_mem>>)
      %dma_wait3A = tpu.memref_slice %arg4[%multiple_of3A_60] : memref<100352xf32, #tpu.memory_space<hbm>> -> memref<3136xf32, #tpu.memory_space<hbm>>
      %dma_wait3A_62 = tpu.memref_slice %arg4[%multiple_of3A_60] : memref<100352xf32, #tpu.memory_space<hbm>> -> memref<3136xf32, #tpu.memory_space<hbm>>
      tpu.wait_dma2 semaphore(%run_scoped3A : memref<!tpu.dma_semaphore, #tpu.memory_space<semaphore_mem>>) src(%arg7 : memref<3136xf32, #tpu.memory_space<vmem>>) dst(%dma_wait3A_62 : memref<3136xf32, #tpu.memory_space<hbm>>)
      tpu.yield
    }) : () -> ()
    return
  }
}

#map = affine_map<(d0, d1) -> (0, 0)>
#map1 = affine_map<(d0, d1) -> (0)>
#map2 = affine_map<(d0, d1) -> (0, 0, 0)>
module attributes {stable_mosaic.version = 14 : i64} {
  func.func @_sc_agg1(%arg0: i32, %arg1: i32, %arg2: memref<50000x32xf32, #tpu.memory_space<hbm>>, %arg3: memref<50000x32xf32, #tpu.memory_space<hbm>>, %arg4: memref<802816xi32, #tpu.memory_space<hbm>>, %arg5: memref<802816xi32, #tpu.memory_space<hbm>>, %arg6: memref<50176x32xf32, #tpu.memory_space<hbm>>, %arg7: memref<2x50176x32xf32, #tpu.memory_space<hbm>>, %arg8: memref<128xi32, #tpu.memory_space<vmem>>, %arg9: memref<128xi32, #tpu.memory_space<vmem>>, %arg10: memref<128x32xf32, #tpu.memory_space<vmem>>, %arg11: memref<392x32xf32, #tpu.memory_space<vmem>>, %arg12: memref<50176x32xf32, #tpu.memory_space<vmem_shared>>) attributes {dimension_semantics = [#tpu.dimension_semantics<core_parallel>, #tpu.dimension_semantics<subcore_parallel>], iteration_bounds = array<i64: 2, 16>, scalar_prefetch = 0 : i64, scratch_operands = 5 : i64, tpu.core_type = #tpu.core_type<sc_vector_subcore>, window_params = [{transform_indices = #map}, {transform_indices = #map}, {transform_indices = #map1}, {transform_indices = #map1}, {transform_indices = #map}, {transform_indices = #map2}]} {
    %mul3A = arith.constant 3136 : i32
    %mul3A_0 = arith.muli %arg1, %mul3A : i32
    %multiple_of3A = tpu.assume_multiple %mul3A_0, 8 : i32
    %add3A = arith.constant 0 : i32
    %add3A_1 = arith.addi %multiple_of3A, %add3A : i32
    %multiple_of3A_2 = tpu.assume_multiple %add3A_1, 8 : i32
    "tpu.region"() ({
      %run_scoped3A = tpu.sem_alloc : memref<!tpu.dma_semaphore, #tpu.memory_space<semaphore_mem>>
      %dma_start3A = arith.constant 0 : i32
      %dma_start3A_56 = tpu.memref_slice %arg6[%multiple_of3A_2, %dma_start3A] : memref<50176x32xf32, #tpu.memory_space<hbm>> -> memref<392x32xf32, #tpu.memory_space<hbm>>
      %dma_start3A_57 = arith.constant 0 : i32
      %dma_start3A_58 = tpu.memref_slice %arg6[%multiple_of3A_2, %dma_start3A_57] : memref<50176x32xf32, #tpu.memory_space<hbm>> -> memref<392x32xf32, #tpu.memory_space<hbm>>
      tpu.enqueue_dma source(%dma_start3A_58 : memref<392x32xf32, #tpu.memory_space<hbm>>) target(%arg11 : memref<392x32xf32, #tpu.memory_space<vmem>>) target_semaphore(%run_scoped3A : memref<!tpu.dma_semaphore, #tpu.memory_space<semaphore_mem>>)
      %dma_wait3A = arith.constant 0 : i32
      %dma_wait3A_59 = tpu.memref_slice %arg6[%multiple_of3A_2, %dma_wait3A] : memref<50176x32xf32, #tpu.memory_space<hbm>> -> memref<392x32xf32, #tpu.memory_space<hbm>>
      %dma_wait3A_60 = arith.constant 0 : i32
      %dma_wait3A_61 = tpu.memref_slice %arg6[%multiple_of3A_2, %dma_wait3A_60] : memref<50176x32xf32, #tpu.memory_space<hbm>> -> memref<392x32xf32, #tpu.memory_space<hbm>>
      tpu.wait_dma2 semaphore(%run_scoped3A : memref<!tpu.dma_semaphore, #tpu.memory_space<semaphore_mem>>) src(%dma_wait3A_61 : memref<392x32xf32, #tpu.memory_space<hbm>>) dst(%arg11 : memref<392x32xf32, #tpu.memory_space<vmem>>)
      tpu.yield
    }) : () -> ()
    "tpu.region"() ({
      %run_scoped3A = tpu.sem_alloc : memref<!tpu.dma_semaphore, #tpu.memory_space<semaphore_mem>>
      %dma_start3A = arith.constant 0 : i32
      %dma_start3A_56 = tpu.memref_slice %arg12[%multiple_of3A_2, %dma_start3A] : memref<50176x32xf32, #tpu.memory_space<vmem_shared>> -> memref<392x32xf32, #tpu.memory_space<vmem_shared>>
      %dma_start3A_57 = arith.constant 0 : i32
      %dma_start3A_58 = tpu.memref_slice %arg12[%multiple_of3A_2, %dma_start3A_57] : memref<50176x32xf32, #tpu.memory_space<vmem_shared>> -> memref<392x32xf32, #tpu.memory_space<vmem_shared>>
      tpu.enqueue_dma source(%arg11 : memref<392x32xf32, #tpu.memory_space<vmem>>) target(%dma_start3A_58 : memref<392x32xf32, #tpu.memory_space<vmem_shared>>) target_semaphore(%run_scoped3A : memref<!tpu.dma_semaphore, #tpu.memory_space<semaphore_mem>>)
      %dma_wait3A = arith.constant 0 : i32
      %dma_wait3A_59 = tpu.memref_slice %arg12[%multiple_of3A_2, %dma_wait3A] : memref<50176x32xf32, #tpu.memory_space<vmem_shared>> -> memref<392x32xf32, #tpu.memory_space<vmem_shared>>
      %dma_wait3A_60 = arith.constant 0 : i32
      %dma_wait3A_61 = tpu.memref_slice %arg12[%multiple_of3A_2, %dma_wait3A_60] : memref<50176x32xf32, #tpu.memory_space<vmem_shared>> -> memref<392x32xf32, #tpu.memory_space<vmem_shared>>
      tpu.wait_dma2 semaphore(%run_scoped3A : memref<!tpu.dma_semaphore, #tpu.memory_space<semaphore_mem>>) src(%arg11 : memref<392x32xf32, #tpu.memory_space<vmem>>) dst(%dma_wait3A_61 : memref<392x32xf32, #tpu.memory_space<vmem_shared>>)
      tpu.yield
    }) : () -> ()
    %add3A_3 = arith.constant 392 : i32
    %add3A_4 = arith.addi %multiple_of3A, %add3A_3 : i32
    %multiple_of3A_5 = tpu.assume_multiple %add3A_4, 8 : i32
    "tpu.region"() ({
      %run_scoped3A = tpu.sem_alloc : memref<!tpu.dma_semaphore, #tpu.memory_space<semaphore_mem>>
      %dma_start3A = arith.constant 0 : i32
      %dma_start3A_56 = tpu.memref_slice %arg6[%multiple_of3A_5, %dma_start3A] : memref<50176x32xf32, #tpu.memory_space<hbm>> -> memref<392x32xf32, #tpu.memory_space<hbm>>
      %dma_start3A_57 = arith.constant 0 : i32
      %dma_start3A_58 = tpu.memref_slice %arg6[%multiple_of3A_5, %dma_start3A_57] : memref<50176x32xf32, #tpu.memory_space<hbm>> -> memref<392x32xf32, #tpu.memory_space<hbm>>
      tpu.enqueue_dma source(%dma_start3A_58 : memref<392x32xf32, #tpu.memory_space<hbm>>) target(%arg11 : memref<392x32xf32, #tpu.memory_space<vmem>>) target_semaphore(%run_scoped3A : memref<!tpu.dma_semaphore, #tpu.memory_space<semaphore_mem>>)
      %dma_wait3A = arith.constant 0 : i32
      %dma_wait3A_59 = tpu.memref_slice %arg6[%multiple_of3A_5, %dma_wait3A] : memref<50176x32xf32, #tpu.memory_space<hbm>> -> memref<392x32xf32, #tpu.memory_space<hbm>>
      %dma_wait3A_60 = arith.constant 0 : i32
      %dma_wait3A_61 = tpu.memref_slice %arg6[%multiple_of3A_5, %dma_wait3A_60] : memref<50176x32xf32, #tpu.memory_space<hbm>> -> memref<392x32xf32, #tpu.memory_space<hbm>>
      tpu.wait_dma2 semaphore(%run_scoped3A : memref<!tpu.dma_semaphore, #tpu.memory_space<semaphore_mem>>) src(%dma_wait3A_61 : memref<392x32xf32, #tpu.memory_space<hbm>>) dst(%arg11 : memref<392x32xf32, #tpu.memory_space<vmem>>)
      tpu.yield
    }) : () -> ()
    "tpu.region"() ({
      %run_scoped3A = tpu.sem_alloc : memref<!tpu.dma_semaphore, #tpu.memory_space<semaphore_mem>>
      %dma_start3A = arith.constant 0 : i32
      %dma_start3A_56 = tpu.memref_slice %arg12[%multiple_of3A_5, %dma_start3A] : memref<50176x32xf32, #tpu.memory_space<vmem_shared>> -> memref<392x32xf32, #tpu.memory_space<vmem_shared>>
      %dma_start3A_57 = arith.constant 0 : i32
      %dma_start3A_58 = tpu.memref_slice %arg12[%multiple_of3A_5, %dma_start3A_57] : memref<50176x32xf32, #tpu.memory_space<vmem_shared>> -> memref<392x32xf32, #tpu.memory_space<vmem_shared>>
      tpu.enqueue_dma source(%arg11 : memref<392x32xf32, #tpu.memory_space<vmem>>) target(%dma_start3A_58 : memref<392x32xf32, #tpu.memory_space<vmem_shared>>) target_semaphore(%run_scoped3A : memref<!tpu.dma_semaphore, #tpu.memory_space<semaphore_mem>>)
      %dma_wait3A = arith.constant 0 : i32
      %dma_wait3A_59 = tpu.memref_slice %arg12[%multiple_of3A_5, %dma_wait3A] : memref<50176x32xf32, #tpu.memory_space<vmem_shared>> -> memref<392x32xf32, #tpu.memory_space<vmem_shared>>
      %dma_wait3A_60 = arith.constant 0 : i32
      %dma_wait3A_61 = tpu.memref_slice %arg12[%multiple_of3A_5, %dma_wait3A_60] : memref<50176x32xf32, #tpu.memory_space<vmem_shared>> -> memref<392x32xf32, #tpu.memory_space<vmem_shared>>
      tpu.wait_dma2 semaphore(%run_scoped3A : memref<!tpu.dma_semaphore, #tpu.memory_space<semaphore_mem>>) src(%arg11 : memref<392x32xf32, #tpu.memory_space<vmem>>) dst(%dma_wait3A_61 : memref<392x32xf32, #tpu.memory_space<vmem_shared>>)
      tpu.yield
    }) : () -> ()
    %add3A_6 = arith.constant 784 : i32
    %add3A_7 = arith.addi %multiple_of3A, %add3A_6 : i32
    %multiple_of3A_8 = tpu.assume_multiple %add3A_7, 8 : i32
    "tpu.region"() ({
      %run_scoped3A = tpu.sem_alloc : memref<!tpu.dma_semaphore, #tpu.memory_space<semaphore_mem>>
      %dma_start3A = arith.constant 0 : i32
      %dma_start3A_56 = tpu.memref_slice %arg6[%multiple_of3A_8, %dma_start3A] : memref<50176x32xf32, #tpu.memory_space<hbm>> -> memref<392x32xf32, #tpu.memory_space<hbm>>
      %dma_start3A_57 = arith.constant 0 : i32
      %dma_start3A_58 = tpu.memref_slice %arg6[%multiple_of3A_8, %dma_start3A_57] : memref<50176x32xf32, #tpu.memory_space<hbm>> -> memref<392x32xf32, #tpu.memory_space<hbm>>
      tpu.enqueue_dma source(%dma_start3A_58 : memref<392x32xf32, #tpu.memory_space<hbm>>) target(%arg11 : memref<392x32xf32, #tpu.memory_space<vmem>>) target_semaphore(%run_scoped3A : memref<!tpu.dma_semaphore, #tpu.memory_space<semaphore_mem>>)
      %dma_wait3A = arith.constant 0 : i32
      %dma_wait3A_59 = tpu.memref_slice %arg6[%multiple_of3A_8, %dma_wait3A] : memref<50176x32xf32, #tpu.memory_space<hbm>> -> memref<392x32xf32, #tpu.memory_space<hbm>>
      %dma_wait3A_60 = arith.constant 0 : i32
      %dma_wait3A_61 = tpu.memref_slice %arg6[%multiple_of3A_8, %dma_wait3A_60] : memref<50176x32xf32, #tpu.memory_space<hbm>> -> memref<392x32xf32, #tpu.memory_space<hbm>>
      tpu.wait_dma2 semaphore(%run_scoped3A : memref<!tpu.dma_semaphore, #tpu.memory_space<semaphore_mem>>) src(%dma_wait3A_61 : memref<392x32xf32, #tpu.memory_space<hbm>>) dst(%arg11 : memref<392x32xf32, #tpu.memory_space<vmem>>)
      tpu.yield
    }) : () -> ()
    "tpu.region"() ({
      %run_scoped3A = tpu.sem_alloc : memref<!tpu.dma_semaphore, #tpu.memory_space<semaphore_mem>>
      %dma_start3A = arith.constant 0 : i32
      %dma_start3A_56 = tpu.memref_slice %arg12[%multiple_of3A_8, %dma_start3A] : memref<50176x32xf32, #tpu.memory_space<vmem_shared>> -> memref<392x32xf32, #tpu.memory_space<vmem_shared>>
      %dma_start3A_57 = arith.constant 0 : i32
      %dma_start3A_58 = tpu.memref_slice %arg12[%multiple_of3A_8, %dma_start3A_57] : memref<50176x32xf32, #tpu.memory_space<vmem_shared>> -> memref<392x32xf32, #tpu.memory_space<vmem_shared>>
      tpu.enqueue_dma source(%arg11 : memref<392x32xf32, #tpu.memory_space<vmem>>) target(%dma_start3A_58 : memref<392x32xf32, #tpu.memory_space<vmem_shared>>) target_semaphore(%run_scoped3A : memref<!tpu.dma_semaphore, #tpu.memory_space<semaphore_mem>>)
      %dma_wait3A = arith.constant 0 : i32
      %dma_wait3A_59 = tpu.memref_slice %arg12[%multiple_of3A_8, %dma_wait3A] : memref<50176x32xf32, #tpu.memory_space<vmem_shared>> -> memref<392x32xf32, #tpu.memory_space<vmem_shared>>
      %dma_wait3A_60 = arith.constant 0 : i32
      %dma_wait3A_61 = tpu.memref_slice %arg12[%multiple_of3A_8, %dma_wait3A_60] : memref<50176x32xf32, #tpu.memory_space<vmem_shared>> -> memref<392x32xf32, #tpu.memory_space<vmem_shared>>
      tpu.wait_dma2 semaphore(%run_scoped3A : memref<!tpu.dma_semaphore, #tpu.memory_space<semaphore_mem>>) src(%arg11 : memref<392x32xf32, #tpu.memory_space<vmem>>) dst(%dma_wait3A_61 : memref<392x32xf32, #tpu.memory_space<vmem_shared>>)
      tpu.yield
    }) : () -> ()
    %add3A_9 = arith.constant 1176 : i32
    %add3A_10 = arith.addi %multiple_of3A, %add3A_9 : i32
    %multiple_of3A_11 = tpu.assume_multiple %add3A_10, 8 : i32
    "tpu.region"() ({
      %run_scoped3A = tpu.sem_alloc : memref<!tpu.dma_semaphore, #tpu.memory_space<semaphore_mem>>
      %dma_start3A = arith.constant 0 : i32
      %dma_start3A_56 = tpu.memref_slice %arg6[%multiple_of3A_11, %dma_start3A] : memref<50176x32xf32, #tpu.memory_space<hbm>> -> memref<392x32xf32, #tpu.memory_space<hbm>>
      %dma_start3A_57 = arith.constant 0 : i32
      %dma_start3A_58 = tpu.memref_slice %arg6[%multiple_of3A_11, %dma_start3A_57] : memref<50176x32xf32, #tpu.memory_space<hbm>> -> memref<392x32xf32, #tpu.memory_space<hbm>>
      tpu.enqueue_dma source(%dma_start3A_58 : memref<392x32xf32, #tpu.memory_space<hbm>>) target(%arg11 : memref<392x32xf32, #tpu.memory_space<vmem>>) target_semaphore(%run_scoped3A : memref<!tpu.dma_semaphore, #tpu.memory_space<semaphore_mem>>)
      %dma_wait3A = arith.constant 0 : i32
      %dma_wait3A_59 = tpu.memref_slice %arg6[%multiple_of3A_11, %dma_wait3A] : memref<50176x32xf32, #tpu.memory_space<hbm>> -> memref<392x32xf32, #tpu.memory_space<hbm>>
      %dma_wait3A_60 = arith.constant 0 : i32
      %dma_wait3A_61 = tpu.memref_slice %arg6[%multiple_of3A_11, %dma_wait3A_60] : memref<50176x32xf32, #tpu.memory_space<hbm>> -> memref<392x32xf32, #tpu.memory_space<hbm>>
      tpu.wait_dma2 semaphore(%run_scoped3A : memref<!tpu.dma_semaphore, #tpu.memory_space<semaphore_mem>>) src(%dma_wait3A_61 : memref<392x32xf32, #tpu.memory_space<hbm>>) dst(%arg11 : memref<392x32xf32, #tpu.memory_space<vmem>>)
      tpu.yield
    }) : () -> ()
    "tpu.region"() ({
      %run_scoped3A = tpu.sem_alloc : memref<!tpu.dma_semaphore, #tpu.memory_space<semaphore_mem>>
      %dma_start3A = arith.constant 0 : i32
      %dma_start3A_56 = tpu.memref_slice %arg12[%multiple_of3A_11, %dma_start3A] : memref<50176x32xf32, #tpu.memory_space<vmem_shared>> -> memref<392x32xf32, #tpu.memory_space<vmem_shared>>
      %dma_start3A_57 = arith.constant 0 : i32
      %dma_start3A_58 = tpu.memref_slice %arg12[%multiple_of3A_11, %dma_start3A_57] : memref<50176x32xf32, #tpu.memory_space<vmem_shared>> -> memref<392x32xf32, #tpu.memory_space<vmem_shared>>
      tpu.enqueue_dma source(%arg11 : memref<392x32xf32, #tpu.memory_space<vmem>>) target(%dma_start3A_58 : memref<392x32xf32, #tpu.memory_space<vmem_shared>>) target_semaphore(%run_scoped3A : memref<!tpu.dma_semaphore, #tpu.memory_space<semaphore_mem>>)
      %dma_wait3A = arith.constant 0 : i32
      %dma_wait3A_59 = tpu.memref_slice %arg12[%multiple_of3A_11, %dma_wait3A] : memref<50176x32xf32, #tpu.memory_space<vmem_shared>> -> memref<392x32xf32, #tpu.memory_space<vmem_shared>>
      %dma_wait3A_60 = arith.constant 0 : i32
      %dma_wait3A_61 = tpu.memref_slice %arg12[%multiple_of3A_11, %dma_wait3A_60] : memref<50176x32xf32, #tpu.memory_space<vmem_shared>> -> memref<392x32xf32, #tpu.memory_space<vmem_shared>>
      tpu.wait_dma2 semaphore(%run_scoped3A : memref<!tpu.dma_semaphore, #tpu.memory_space<semaphore_mem>>) src(%arg11 : memref<392x32xf32, #tpu.memory_space<vmem>>) dst(%dma_wait3A_61 : memref<392x32xf32, #tpu.memory_space<vmem_shared>>)
      tpu.yield
    }) : () -> ()
    %add3A_12 = arith.constant 1568 : i32
    %add3A_13 = arith.addi %multiple_of3A, %add3A_12 : i32
    %multiple_of3A_14 = tpu.assume_multiple %add3A_13, 8 : i32
    "tpu.region"() ({
      %run_scoped3A = tpu.sem_alloc : memref<!tpu.dma_semaphore, #tpu.memory_space<semaphore_mem>>
      %dma_start3A = arith.constant 0 : i32
      %dma_start3A_56 = tpu.memref_slice %arg6[%multiple_of3A_14, %dma_start3A] : memref<50176x32xf32, #tpu.memory_space<hbm>> -> memref<392x32xf32, #tpu.memory_space<hbm>>
      %dma_start3A_57 = arith.constant 0 : i32
      %dma_start3A_58 = tpu.memref_slice %arg6[%multiple_of3A_14, %dma_start3A_57] : memref<50176x32xf32, #tpu.memory_space<hbm>> -> memref<392x32xf32, #tpu.memory_space<hbm>>
      tpu.enqueue_dma source(%dma_start3A_58 : memref<392x32xf32, #tpu.memory_space<hbm>>) target(%arg11 : memref<392x32xf32, #tpu.memory_space<vmem>>) target_semaphore(%run_scoped3A : memref<!tpu.dma_semaphore, #tpu.memory_space<semaphore_mem>>)
      %dma_wait3A = arith.constant 0 : i32
      %dma_wait3A_59 = tpu.memref_slice %arg6[%multiple_of3A_14, %dma_wait3A] : memref<50176x32xf32, #tpu.memory_space<hbm>> -> memref<392x32xf32, #tpu.memory_space<hbm>>
      %dma_wait3A_60 = arith.constant 0 : i32
      %dma_wait3A_61 = tpu.memref_slice %arg6[%multiple_of3A_14, %dma_wait3A_60] : memref<50176x32xf32, #tpu.memory_space<hbm>> -> memref<392x32xf32, #tpu.memory_space<hbm>>
      tpu.wait_dma2 semaphore(%run_scoped3A : memref<!tpu.dma_semaphore, #tpu.memory_space<semaphore_mem>>) src(%dma_wait3A_61 : memref<392x32xf32, #tpu.memory_space<hbm>>) dst(%arg11 : memref<392x32xf32, #tpu.memory_space<vmem>>)
      tpu.yield
    }) : () -> ()
    "tpu.region"() ({
      %run_scoped3A = tpu.sem_alloc : memref<!tpu.dma_semaphore, #tpu.memory_space<semaphore_mem>>
      %dma_start3A = arith.constant 0 : i32
      %dma_start3A_56 = tpu.memref_slice %arg12[%multiple_of3A_14, %dma_start3A] : memref<50176x32xf32, #tpu.memory_space<vmem_shared>> -> memref<392x32xf32, #tpu.memory_space<vmem_shared>>
      %dma_start3A_57 = arith.constant 0 : i32
      %dma_start3A_58 = tpu.memref_slice %arg12[%multiple_of3A_14, %dma_start3A_57] : memref<50176x32xf32, #tpu.memory_space<vmem_shared>> -> memref<392x32xf32, #tpu.memory_space<vmem_shared>>
      tpu.enqueue_dma source(%arg11 : memref<392x32xf32, #tpu.memory_space<vmem>>) target(%dma_start3A_58 : memref<392x32xf32, #tpu.memory_space<vmem_shared>>) target_semaphore(%run_scoped3A : memref<!tpu.dma_semaphore, #tpu.memory_space<semaphore_mem>>)
      %dma_wait3A = arith.constant 0 : i32
      %dma_wait3A_59 = tpu.memref_slice %arg12[%multiple_of3A_14, %dma_wait3A] : memref<50176x32xf32, #tpu.memory_space<vmem_shared>> -> memref<392x32xf32, #tpu.memory_space<vmem_shared>>
      %dma_wait3A_60 = arith.constant 0 : i32
      %dma_wait3A_61 = tpu.memref_slice %arg12[%multiple_of3A_14, %dma_wait3A_60] : memref<50176x32xf32, #tpu.memory_space<vmem_shared>> -> memref<392x32xf32, #tpu.memory_space<vmem_shared>>
      tpu.wait_dma2 semaphore(%run_scoped3A : memref<!tpu.dma_semaphore, #tpu.memory_space<semaphore_mem>>) src(%arg11 : memref<392x32xf32, #tpu.memory_space<vmem>>) dst(%dma_wait3A_61 : memref<392x32xf32, #tpu.memory_space<vmem_shared>>)
      tpu.yield
    }) : () -> ()
    %add3A_15 = arith.constant 1960 : i32
    %add3A_16 = arith.addi %multiple_of3A, %add3A_15 : i32
    %multiple_of3A_17 = tpu.assume_multiple %add3A_16, 8 : i32
    "tpu.region"() ({
      %run_scoped3A = tpu.sem_alloc : memref<!tpu.dma_semaphore, #tpu.memory_space<semaphore_mem>>
      %dma_start3A = arith.constant 0 : i32
      %dma_start3A_56 = tpu.memref_slice %arg6[%multiple_of3A_17, %dma_start3A] : memref<50176x32xf32, #tpu.memory_space<hbm>> -> memref<392x32xf32, #tpu.memory_space<hbm>>
      %dma_start3A_57 = arith.constant 0 : i32
      %dma_start3A_58 = tpu.memref_slice %arg6[%multiple_of3A_17, %dma_start3A_57] : memref<50176x32xf32, #tpu.memory_space<hbm>> -> memref<392x32xf32, #tpu.memory_space<hbm>>
      tpu.enqueue_dma source(%dma_start3A_58 : memref<392x32xf32, #tpu.memory_space<hbm>>) target(%arg11 : memref<392x32xf32, #tpu.memory_space<vmem>>) target_semaphore(%run_scoped3A : memref<!tpu.dma_semaphore, #tpu.memory_space<semaphore_mem>>)
      %dma_wait3A = arith.constant 0 : i32
      %dma_wait3A_59 = tpu.memref_slice %arg6[%multiple_of3A_17, %dma_wait3A] : memref<50176x32xf32, #tpu.memory_space<hbm>> -> memref<392x32xf32, #tpu.memory_space<hbm>>
      %dma_wait3A_60 = arith.constant 0 : i32
      %dma_wait3A_61 = tpu.memref_slice %arg6[%multiple_of3A_17, %dma_wait3A_60] : memref<50176x32xf32, #tpu.memory_space<hbm>> -> memref<392x32xf32, #tpu.memory_space<hbm>>
      tpu.wait_dma2 semaphore(%run_scoped3A : memref<!tpu.dma_semaphore, #tpu.memory_space<semaphore_mem>>) src(%dma_wait3A_61 : memref<392x32xf32, #tpu.memory_space<hbm>>) dst(%arg11 : memref<392x32xf32, #tpu.memory_space<vmem>>)
      tpu.yield
    }) : () -> ()
    "tpu.region"() ({
      %run_scoped3A = tpu.sem_alloc : memref<!tpu.dma_semaphore, #tpu.memory_space<semaphore_mem>>
      %dma_start3A = arith.constant 0 : i32
      %dma_start3A_56 = tpu.memref_slice %arg12[%multiple_of3A_17, %dma_start3A] : memref<50176x32xf32, #tpu.memory_space<vmem_shared>> -> memref<392x32xf32, #tpu.memory_space<vmem_shared>>
      %dma_start3A_57 = arith.constant 0 : i32
      %dma_start3A_58 = tpu.memref_slice %arg12[%multiple_of3A_17, %dma_start3A_57] : memref<50176x32xf32, #tpu.memory_space<vmem_shared>> -> memref<392x32xf32, #tpu.memory_space<vmem_shared>>
      tpu.enqueue_dma source(%arg11 : memref<392x32xf32, #tpu.memory_space<vmem>>) target(%dma_start3A_58 : memref<392x32xf32, #tpu.memory_space<vmem_shared>>) target_semaphore(%run_scoped3A : memref<!tpu.dma_semaphore, #tpu.memory_space<semaphore_mem>>)
      %dma_wait3A = arith.constant 0 : i32
      %dma_wait3A_59 = tpu.memref_slice %arg12[%multiple_of3A_17, %dma_wait3A] : memref<50176x32xf32, #tpu.memory_space<vmem_shared>> -> memref<392x32xf32, #tpu.memory_space<vmem_shared>>
      %dma_wait3A_60 = arith.constant 0 : i32
      %dma_wait3A_61 = tpu.memref_slice %arg12[%multiple_of3A_17, %dma_wait3A_60] : memref<50176x32xf32, #tpu.memory_space<vmem_shared>> -> memref<392x32xf32, #tpu.memory_space<vmem_shared>>
      tpu.wait_dma2 semaphore(%run_scoped3A : memref<!tpu.dma_semaphore, #tpu.memory_space<semaphore_mem>>) src(%arg11 : memref<392x32xf32, #tpu.memory_space<vmem>>) dst(%dma_wait3A_61 : memref<392x32xf32, #tpu.memory_space<vmem_shared>>)
      tpu.yield
    }) : () -> ()
    %add3A_18 = arith.constant 2352 : i32
    %add3A_19 = arith.addi %multiple_of3A, %add3A_18 : i32
    %multiple_of3A_20 = tpu.assume_multiple %add3A_19, 8 : i32
    "tpu.region"() ({
      %run_scoped3A = tpu.sem_alloc : memref<!tpu.dma_semaphore, #tpu.memory_space<semaphore_mem>>
      %dma_start3A = arith.constant 0 : i32
      %dma_start3A_56 = tpu.memref_slice %arg6[%multiple_of3A_20, %dma_start3A] : memref<50176x32xf32, #tpu.memory_space<hbm>> -> memref<392x32xf32, #tpu.memory_space<hbm>>
      %dma_start3A_57 = arith.constant 0 : i32
      %dma_start3A_58 = tpu.memref_slice %arg6[%multiple_of3A_20, %dma_start3A_57] : memref<50176x32xf32, #tpu.memory_space<hbm>> -> memref<392x32xf32, #tpu.memory_space<hbm>>
      tpu.enqueue_dma source(%dma_start3A_58 : memref<392x32xf32, #tpu.memory_space<hbm>>) target(%arg11 : memref<392x32xf32, #tpu.memory_space<vmem>>) target_semaphore(%run_scoped3A : memref<!tpu.dma_semaphore, #tpu.memory_space<semaphore_mem>>)
      %dma_wait3A = arith.constant 0 : i32
      %dma_wait3A_59 = tpu.memref_slice %arg6[%multiple_of3A_20, %dma_wait3A] : memref<50176x32xf32, #tpu.memory_space<hbm>> -> memref<392x32xf32, #tpu.memory_space<hbm>>
      %dma_wait3A_60 = arith.constant 0 : i32
      %dma_wait3A_61 = tpu.memref_slice %arg6[%multiple_of3A_20, %dma_wait3A_60] : memref<50176x32xf32, #tpu.memory_space<hbm>> -> memref<392x32xf32, #tpu.memory_space<hbm>>
      tpu.wait_dma2 semaphore(%run_scoped3A : memref<!tpu.dma_semaphore, #tpu.memory_space<semaphore_mem>>) src(%dma_wait3A_61 : memref<392x32xf32, #tpu.memory_space<hbm>>) dst(%arg11 : memref<392x32xf32, #tpu.memory_space<vmem>>)
      tpu.yield
    }) : () -> ()
    "tpu.region"() ({
      %run_scoped3A = tpu.sem_alloc : memref<!tpu.dma_semaphore, #tpu.memory_space<semaphore_mem>>
      %dma_start3A = arith.constant 0 : i32
      %dma_start3A_56 = tpu.memref_slice %arg12[%multiple_of3A_20, %dma_start3A] : memref<50176x32xf32, #tpu.memory_space<vmem_shared>> -> memref<392x32xf32, #tpu.memory_space<vmem_shared>>
      %dma_start3A_57 = arith.constant 0 : i32
      %dma_start3A_58 = tpu.memref_slice %arg12[%multiple_of3A_20, %dma_start3A_57] : memref<50176x32xf32, #tpu.memory_space<vmem_shared>> -> memref<392x32xf32, #tpu.memory_space<vmem_shared>>
      tpu.enqueue_dma source(%arg11 : memref<392x32xf32, #tpu.memory_space<vmem>>) target(%dma_start3A_58 : memref<392x32xf32, #tpu.memory_space<vmem_shared>>) target_semaphore(%run_scoped3A : memref<!tpu.dma_semaphore, #tpu.memory_space<semaphore_mem>>)
      %dma_wait3A = arith.constant 0 : i32
      %dma_wait3A_59 = tpu.memref_slice %arg12[%multiple_of3A_20, %dma_wait3A] : memref<50176x32xf32, #tpu.memory_space<vmem_shared>> -> memref<392x32xf32, #tpu.memory_space<vmem_shared>>
      %dma_wait3A_60 = arith.constant 0 : i32
      %dma_wait3A_61 = tpu.memref_slice %arg12[%multiple_of3A_20, %dma_wait3A_60] : memref<50176x32xf32, #tpu.memory_space<vmem_shared>> -> memref<392x32xf32, #tpu.memory_space<vmem_shared>>
      tpu.wait_dma2 semaphore(%run_scoped3A : memref<!tpu.dma_semaphore, #tpu.memory_space<semaphore_mem>>) src(%arg11 : memref<392x32xf32, #tpu.memory_space<vmem>>) dst(%dma_wait3A_61 : memref<392x32xf32, #tpu.memory_space<vmem_shared>>)
      tpu.yield
    }) : () -> ()
    %add3A_21 = arith.constant 2744 : i32
    %add3A_22 = arith.addi %multiple_of3A, %add3A_21 : i32
    %multiple_of3A_23 = tpu.assume_multiple %add3A_22, 8 : i32
    "tpu.region"() ({
      %run_scoped3A = tpu.sem_alloc : memref<!tpu.dma_semaphore, #tpu.memory_space<semaphore_mem>>
      %dma_start3A = arith.constant 0 : i32
      %dma_start3A_56 = tpu.memref_slice %arg6[%multiple_of3A_23, %dma_start3A] : memref<50176x32xf32, #tpu.memory_space<hbm>> -> memref<392x32xf32, #tpu.memory_space<hbm>>
      %dma_start3A_57 = arith.constant 0 : i32
      %dma_start3A_58 = tpu.memref_slice %arg6[%multiple_of3A_23, %dma_start3A_57] : memref<50176x32xf32, #tpu.memory_space<hbm>> -> memref<392x32xf32, #tpu.memory_space<hbm>>
      tpu.enqueue_dma source(%dma_start3A_58 : memref<392x32xf32, #tpu.memory_space<hbm>>) target(%arg11 : memref<392x32xf32, #tpu.memory_space<vmem>>) target_semaphore(%run_scoped3A : memref<!tpu.dma_semaphore, #tpu.memory_space<semaphore_mem>>)
      %dma_wait3A = arith.constant 0 : i32
      %dma_wait3A_59 = tpu.memref_slice %arg6[%multiple_of3A_23, %dma_wait3A] : memref<50176x32xf32, #tpu.memory_space<hbm>> -> memref<392x32xf32, #tpu.memory_space<hbm>>
      %dma_wait3A_60 = arith.constant 0 : i32
      %dma_wait3A_61 = tpu.memref_slice %arg6[%multiple_of3A_23, %dma_wait3A_60] : memref<50176x32xf32, #tpu.memory_space<hbm>> -> memref<392x32xf32, #tpu.memory_space<hbm>>
      tpu.wait_dma2 semaphore(%run_scoped3A : memref<!tpu.dma_semaphore, #tpu.memory_space<semaphore_mem>>) src(%dma_wait3A_61 : memref<392x32xf32, #tpu.memory_space<hbm>>) dst(%arg11 : memref<392x32xf32, #tpu.memory_space<vmem>>)
      tpu.yield
    }) : () -> ()
    "tpu.region"() ({
      %run_scoped3A = tpu.sem_alloc : memref<!tpu.dma_semaphore, #tpu.memory_space<semaphore_mem>>
      %dma_start3A = arith.constant 0 : i32
      %dma_start3A_56 = tpu.memref_slice %arg12[%multiple_of3A_23, %dma_start3A] : memref<50176x32xf32, #tpu.memory_space<vmem_shared>> -> memref<392x32xf32, #tpu.memory_space<vmem_shared>>
      %dma_start3A_57 = arith.constant 0 : i32
      %dma_start3A_58 = tpu.memref_slice %arg12[%multiple_of3A_23, %dma_start3A_57] : memref<50176x32xf32, #tpu.memory_space<vmem_shared>> -> memref<392x32xf32, #tpu.memory_space<vmem_shared>>
      tpu.enqueue_dma source(%arg11 : memref<392x32xf32, #tpu.memory_space<vmem>>) target(%dma_start3A_58 : memref<392x32xf32, #tpu.memory_space<vmem_shared>>) target_semaphore(%run_scoped3A : memref<!tpu.dma_semaphore, #tpu.memory_space<semaphore_mem>>)
      %dma_wait3A = arith.constant 0 : i32
      %dma_wait3A_59 = tpu.memref_slice %arg12[%multiple_of3A_23, %dma_wait3A] : memref<50176x32xf32, #tpu.memory_space<vmem_shared>> -> memref<392x32xf32, #tpu.memory_space<vmem_shared>>
      %dma_wait3A_60 = arith.constant 0 : i32
      %dma_wait3A_61 = tpu.memref_slice %arg12[%multiple_of3A_23, %dma_wait3A_60] : memref<50176x32xf32, #tpu.memory_space<vmem_shared>> -> memref<392x32xf32, #tpu.memory_space<vmem_shared>>
      tpu.wait_dma2 semaphore(%run_scoped3A : memref<!tpu.dma_semaphore, #tpu.memory_space<semaphore_mem>>) src(%arg11 : memref<392x32xf32, #tpu.memory_space<vmem>>) dst(%dma_wait3A_61 : memref<392x32xf32, #tpu.memory_space<vmem_shared>>)
      tpu.yield
    }) : () -> ()
    %barrier3A = arith.constant 0 : index
    tpu.barrier barrier_id(%barrier3A)
    %mul3A_24 = arith.constant 50176 : i32
    %mul3A_25 = arith.muli %arg1, %mul3A_24 : i32
    %scan3A = arith.constant 0 : i32
    %scan3A_26 = arith.constant 0 : i32
    %scan3A_27 = arith.constant 392 : i32
    %scan3A_28 = arith.addi %scan3A_26, %scan3A_27 : i32
    %scan3A_29 = arith.constant 1 : i32
    scf.for %scan3A_56 = %scan3A_26 to %scan3A_28 step %scan3A_29  : i32 {
      %mul3A_57 = arith.constant 128 : i32
      %mul3A_58 = arith.muli %scan3A_56, %mul3A_57 : i32
      %add3A_59 = arith.addi %mul3A_25, %mul3A_58 : i32
      %multiple_of3A_60 = tpu.assume_multiple %add3A_59, 8 : i32
      "tpu.region"() ({
        %run_scoped3A = tpu.sem_alloc : memref<!tpu.dma_semaphore, #tpu.memory_space<semaphore_mem>>
        %dma_start3A = tpu.memref_slice %arg4[%multiple_of3A_60] : memref<802816xi32, #tpu.memory_space<hbm>> -> memref<128xi32, #tpu.memory_space<hbm>>
        %dma_start3A_68 = tpu.memref_slice %arg4[%multiple_of3A_60] : memref<802816xi32, #tpu.memory_space<hbm>> -> memref<128xi32, #tpu.memory_space<hbm>>
        tpu.enqueue_dma source(%dma_start3A_68 : memref<128xi32, #tpu.memory_space<hbm>>) target(%arg8 : memref<128xi32, #tpu.memory_space<vmem>>) target_semaphore(%run_scoped3A : memref<!tpu.dma_semaphore, #tpu.memory_space<semaphore_mem>>)
        %dma_wait3A = tpu.memref_slice %arg4[%multiple_of3A_60] : memref<802816xi32, #tpu.memory_space<hbm>> -> memref<128xi32, #tpu.memory_space<hbm>>
        %dma_wait3A_69 = tpu.memref_slice %arg4[%multiple_of3A_60] : memref<802816xi32, #tpu.memory_space<hbm>> -> memref<128xi32, #tpu.memory_space<hbm>>
        tpu.wait_dma2 semaphore(%run_scoped3A : memref<!tpu.dma_semaphore, #tpu.memory_space<semaphore_mem>>) src(%dma_wait3A_69 : memref<128xi32, #tpu.memory_space<hbm>>) dst(%arg8 : memref<128xi32, #tpu.memory_space<vmem>>)
        tpu.yield
      }) : () -> ()
      "tpu.region"() ({
        %run_scoped3A = tpu.sem_alloc : memref<!tpu.dma_semaphore, #tpu.memory_space<semaphore_mem>>
        %dma_start3A = tpu.memref_slice %arg5[%multiple_of3A_60] : memref<802816xi32, #tpu.memory_space<hbm>> -> memref<128xi32, #tpu.memory_space<hbm>>
        %dma_start3A_68 = tpu.memref_slice %arg5[%multiple_of3A_60] : memref<802816xi32, #tpu.memory_space<hbm>> -> memref<128xi32, #tpu.memory_space<hbm>>
        tpu.enqueue_dma source(%dma_start3A_68 : memref<128xi32, #tpu.memory_space<hbm>>) target(%arg9 : memref<128xi32, #tpu.memory_space<vmem>>) target_semaphore(%run_scoped3A : memref<!tpu.dma_semaphore, #tpu.memory_space<semaphore_mem>>)
        %dma_wait3A = tpu.memref_slice %arg5[%multiple_of3A_60] : memref<802816xi32, #tpu.memory_space<hbm>> -> memref<128xi32, #tpu.memory_space<hbm>>
        %dma_wait3A_69 = tpu.memref_slice %arg5[%multiple_of3A_60] : memref<802816xi32, #tpu.memory_space<hbm>> -> memref<128xi32, #tpu.memory_space<hbm>>
        tpu.wait_dma2 semaphore(%run_scoped3A : memref<!tpu.dma_semaphore, #tpu.memory_space<semaphore_mem>>) src(%dma_wait3A_69 : memref<128xi32, #tpu.memory_space<hbm>>) dst(%arg9 : memref<128xi32, #tpu.memory_space<vmem>>)
        tpu.yield
      }) : () -> ()
      %eq3A = arith.constant 0 : i32
      %eq3A_61 = arith.cmpi eq, %arg0, %eq3A : i32
      %convert_element_type3A = arith.extui %eq3A_61 : i1 to i32
      %cond3A = arith.constant 0 : i32
      %cond3A_62 = arith.cmpi ne, %convert_element_type3A, %cond3A : i32
      scf.if %cond3A_62 {
        "tpu.region"() ({
          %run_scoped3A = tpu.sem_alloc : memref<!tpu.dma_semaphore, #tpu.memory_space<semaphore_mem>>
          %dma_start3A = arith.constant 0 : i32
          %dma_start3A_68 = arith.constant 0 : i32
          %dma_start3A_69 = tpu.memref_slice %arg2[%dma_start3A, %dma_start3A_68] : memref<50000x32xf32, #tpu.memory_space<hbm>> -> memref<50000x32xf32, #tpu.memory_space<hbm>>
          tpu.enqueue_indirect_dma source(%dma_start3A_69 : memref<50000x32xf32, #tpu.memory_space<hbm>>) target(%arg10 : memref<128x32xf32, #tpu.memory_space<vmem>>) offsets(%arg8 : memref<128xi32, #tpu.memory_space<vmem>>) semaphore(%run_scoped3A : memref<!tpu.dma_semaphore, #tpu.memory_space<semaphore_mem>>)
          %dma_wait3A = arith.constant 0 : i32
          %dma_wait3A_70 = arith.constant 0 : i32
          %dma_wait3A_71 = tpu.memref_slice %arg2[%dma_wait3A, %dma_wait3A_70] : memref<50000x32xf32, #tpu.memory_space<hbm>> -> memref<50000x32xf32, #tpu.memory_space<hbm>>
          tpu.wait_indirect_dma semaphore(%run_scoped3A : memref<!tpu.dma_semaphore, #tpu.memory_space<semaphore_mem>>) src(%dma_wait3A_71 : memref<50000x32xf32, #tpu.memory_space<hbm>>) dst(%arg10 : memref<128x32xf32, #tpu.memory_space<vmem>>)
          tpu.yield
        }) : () -> ()
      } else {
      }
      %eq3A_63 = arith.constant 1 : i32
      %eq3A_64 = arith.cmpi eq, %arg0, %eq3A_63 : i32
      %convert_element_type3A_65 = arith.extui %eq3A_64 : i1 to i32
      %cond3A_66 = arith.constant 0 : i32
      %cond3A_67 = arith.cmpi ne, %convert_element_type3A_65, %cond3A_66 : i32
      scf.if %cond3A_67 {
        "tpu.region"() ({
          %run_scoped3A = tpu.sem_alloc : memref<!tpu.dma_semaphore, #tpu.memory_space<semaphore_mem>>
          %dma_start3A = arith.constant 0 : i32
          %dma_start3A_68 = arith.constant 0 : i32
          %dma_start3A_69 = tpu.memref_slice %arg3[%dma_start3A, %dma_start3A_68] : memref<50000x32xf32, #tpu.memory_space<hbm>> -> memref<50000x32xf32, #tpu.memory_space<hbm>>
          tpu.enqueue_indirect_dma source(%dma_start3A_69 : memref<50000x32xf32, #tpu.memory_space<hbm>>) target(%arg10 : memref<128x32xf32, #tpu.memory_space<vmem>>) offsets(%arg8 : memref<128xi32, #tpu.memory_space<vmem>>) semaphore(%run_scoped3A : memref<!tpu.dma_semaphore, #tpu.memory_space<semaphore_mem>>)
          %dma_wait3A = arith.constant 0 : i32
          %dma_wait3A_70 = arith.constant 0 : i32
          %dma_wait3A_71 = tpu.memref_slice %arg3[%dma_wait3A, %dma_wait3A_70] : memref<50000x32xf32, #tpu.memory_space<hbm>> -> memref<50000x32xf32, #tpu.memory_space<hbm>>
          tpu.wait_indirect_dma semaphore(%run_scoped3A : memref<!tpu.dma_semaphore, #tpu.memory_space<semaphore_mem>>) src(%dma_wait3A_71 : memref<50000x32xf32, #tpu.memory_space<hbm>>) dst(%arg10 : memref<128x32xf32, #tpu.memory_space<vmem>>)
          tpu.yield
        }) : () -> ()
      } else {
      }
      "tpu.region"() ({
        %run_scoped3A = tpu.sem_alloc : memref<!tpu.dma_semaphore, #tpu.memory_space<semaphore_mem>>
        %dma_start3A = arith.constant 0 : i32
        %dma_start3A_68 = arith.constant 0 : i32
        %dma_start3A_69 = tpu.memref_slice %arg12[%dma_start3A, %dma_start3A_68] : memref<50176x32xf32, #tpu.memory_space<vmem_shared>> -> memref<50176x32xf32, #tpu.memory_space<vmem_shared>>
        tpu.enqueue_indirect_dma source(%arg10 : memref<128x32xf32, #tpu.memory_space<vmem>>) target(%dma_start3A_69 : memref<50176x32xf32, #tpu.memory_space<vmem_shared>>) offsets(%arg9 : memref<128xi32, #tpu.memory_space<vmem>>) semaphore(%run_scoped3A : memref<!tpu.dma_semaphore, #tpu.memory_space<semaphore_mem>>) {add = true}
        %dma_wait3A = arith.constant 0 : i32
        %dma_wait3A_70 = arith.constant 0 : i32
        %dma_wait3A_71 = tpu.memref_slice %arg12[%dma_wait3A, %dma_wait3A_70] : memref<50176x32xf32, #tpu.memory_space<vmem_shared>> -> memref<50176x32xf32, #tpu.memory_space<vmem_shared>>
        tpu.wait_indirect_dma semaphore(%run_scoped3A : memref<!tpu.dma_semaphore, #tpu.memory_space<semaphore_mem>>) src(%arg10 : memref<128x32xf32, #tpu.memory_space<vmem>>) dst(%dma_wait3A_71 : memref<50176x32xf32, #tpu.memory_space<vmem_shared>>)
        tpu.yield
      }) : () -> ()
    }
    %scan3A_30 = arith.constant 392 : i32
    %barrier3A_31 = arith.constant 0 : index
    tpu.barrier barrier_id(%barrier3A_31)
    %add3A_32 = arith.constant 0 : i32
    %add3A_33 = arith.addi %multiple_of3A, %add3A_32 : i32
    %multiple_of3A_34 = tpu.assume_multiple %add3A_33, 8 : i32
    "tpu.region"() ({
      %run_scoped3A = tpu.sem_alloc : memref<!tpu.dma_semaphore, #tpu.memory_space<semaphore_mem>>
      %dma_start3A = arith.constant 0 : i32
      %dma_start3A_56 = tpu.memref_slice %arg12[%multiple_of3A_34, %dma_start3A] : memref<50176x32xf32, #tpu.memory_space<vmem_shared>> -> memref<392x32xf32, #tpu.memory_space<vmem_shared>>
      %dma_start3A_57 = arith.constant 0 : i32
      %dma_start3A_58 = tpu.memref_slice %arg12[%multiple_of3A_34, %dma_start3A_57] : memref<50176x32xf32, #tpu.memory_space<vmem_shared>> -> memref<392x32xf32, #tpu.memory_space<vmem_shared>>
      tpu.enqueue_dma source(%dma_start3A_58 : memref<392x32xf32, #tpu.memory_space<vmem_shared>>) target(%arg11 : memref<392x32xf32, #tpu.memory_space<vmem>>) target_semaphore(%run_scoped3A : memref<!tpu.dma_semaphore, #tpu.memory_space<semaphore_mem>>)
      %dma_wait3A = arith.constant 0 : i32
      %dma_wait3A_59 = tpu.memref_slice %arg12[%multiple_of3A_34, %dma_wait3A] : memref<50176x32xf32, #tpu.memory_space<vmem_shared>> -> memref<392x32xf32, #tpu.memory_space<vmem_shared>>
      %dma_wait3A_60 = arith.constant 0 : i32
      %dma_wait3A_61 = tpu.memref_slice %arg12[%multiple_of3A_34, %dma_wait3A_60] : memref<50176x32xf32, #tpu.memory_space<vmem_shared>> -> memref<392x32xf32, #tpu.memory_space<vmem_shared>>
      tpu.wait_dma2 semaphore(%run_scoped3A : memref<!tpu.dma_semaphore, #tpu.memory_space<semaphore_mem>>) src(%dma_wait3A_61 : memref<392x32xf32, #tpu.memory_space<vmem_shared>>) dst(%arg11 : memref<392x32xf32, #tpu.memory_space<vmem>>)
      tpu.yield
    }) : () -> ()
    "tpu.region"() ({
      %run_scoped3A = tpu.sem_alloc : memref<!tpu.dma_semaphore, #tpu.memory_space<semaphore_mem>>
      %dma_start3A = arith.constant 0 : i32
      %dma_start3A_56 = tpu.memref_slice %arg7[%arg0, %multiple_of3A_34, %dma_start3A] : memref<2x50176x32xf32, #tpu.memory_space<hbm>> -> memref<1x392x32xf32, #tpu.memory_space<hbm>>
      %dma_start3A_57 = tpu.memref_squeeze %dma_start3A_56 : memref<1x392x32xf32, #tpu.memory_space<hbm>> -> memref<392x32xf32, #tpu.memory_space<hbm>>
      %dma_start3A_58 = arith.constant 0 : i32
      %dma_start3A_59 = tpu.memref_slice %arg7[%arg0, %multiple_of3A_34, %dma_start3A_58] : memref<2x50176x32xf32, #tpu.memory_space<hbm>> -> memref<1x392x32xf32, #tpu.memory_space<hbm>>
      %dma_start3A_60 = tpu.memref_squeeze %dma_start3A_59 : memref<1x392x32xf32, #tpu.memory_space<hbm>> -> memref<392x32xf32, #tpu.memory_space<hbm>>
      tpu.enqueue_dma source(%arg11 : memref<392x32xf32, #tpu.memory_space<vmem>>) target(%dma_start3A_60 : memref<392x32xf32, #tpu.memory_space<hbm>>) target_semaphore(%run_scoped3A : memref<!tpu.dma_semaphore, #tpu.memory_space<semaphore_mem>>)
      %dma_wait3A = arith.constant 0 : i32
      %dma_wait3A_61 = tpu.memref_slice %arg7[%arg0, %multiple_of3A_34, %dma_wait3A] : memref<2x50176x32xf32, #tpu.memory_space<hbm>> -> memref<1x392x32xf32, #tpu.memory_space<hbm>>
      %dma_wait3A_62 = tpu.memref_squeeze %dma_wait3A_61 : memref<1x392x32xf32, #tpu.memory_space<hbm>> -> memref<392x32xf32, #tpu.memory_space<hbm>>
      %dma_wait3A_63 = arith.constant 0 : i32
      %dma_wait3A_64 = tpu.memref_slice %arg7[%arg0, %multiple_of3A_34, %dma_wait3A_63] : memref<2x50176x32xf32, #tpu.memory_space<hbm>> -> memref<1x392x32xf32, #tpu.memory_space<hbm>>
      %dma_wait3A_65 = tpu.memref_squeeze %dma_wait3A_64 : memref<1x392x32xf32, #tpu.memory_space<hbm>> -> memref<392x32xf32, #tpu.memory_space<hbm>>
      tpu.wait_dma2 semaphore(%run_scoped3A : memref<!tpu.dma_semaphore, #tpu.memory_space<semaphore_mem>>) src(%arg11 : memref<392x32xf32, #tpu.memory_space<vmem>>) dst(%dma_wait3A_65 : memref<392x32xf32, #tpu.memory_space<hbm>>)
      tpu.yield
    }) : () -> ()
    %add3A_35 = arith.constant 392 : i32
    %add3A_36 = arith.addi %multiple_of3A, %add3A_35 : i32
    %multiple_of3A_37 = tpu.assume_multiple %add3A_36, 8 : i32
    "tpu.region"() ({
      %run_scoped3A = tpu.sem_alloc : memref<!tpu.dma_semaphore, #tpu.memory_space<semaphore_mem>>
      %dma_start3A = arith.constant 0 : i32
      %dma_start3A_56 = tpu.memref_slice %arg12[%multiple_of3A_37, %dma_start3A] : memref<50176x32xf32, #tpu.memory_space<vmem_shared>> -> memref<392x32xf32, #tpu.memory_space<vmem_shared>>
      %dma_start3A_57 = arith.constant 0 : i32
      %dma_start3A_58 = tpu.memref_slice %arg12[%multiple_of3A_37, %dma_start3A_57] : memref<50176x32xf32, #tpu.memory_space<vmem_shared>> -> memref<392x32xf32, #tpu.memory_space<vmem_shared>>
      tpu.enqueue_dma source(%dma_start3A_58 : memref<392x32xf32, #tpu.memory_space<vmem_shared>>) target(%arg11 : memref<392x32xf32, #tpu.memory_space<vmem>>) target_semaphore(%run_scoped3A : memref<!tpu.dma_semaphore, #tpu.memory_space<semaphore_mem>>)
      %dma_wait3A = arith.constant 0 : i32
      %dma_wait3A_59 = tpu.memref_slice %arg12[%multiple_of3A_37, %dma_wait3A] : memref<50176x32xf32, #tpu.memory_space<vmem_shared>> -> memref<392x32xf32, #tpu.memory_space<vmem_shared>>
      %dma_wait3A_60 = arith.constant 0 : i32
      %dma_wait3A_61 = tpu.memref_slice %arg12[%multiple_of3A_37, %dma_wait3A_60] : memref<50176x32xf32, #tpu.memory_space<vmem_shared>> -> memref<392x32xf32, #tpu.memory_space<vmem_shared>>
      tpu.wait_dma2 semaphore(%run_scoped3A : memref<!tpu.dma_semaphore, #tpu.memory_space<semaphore_mem>>) src(%dma_wait3A_61 : memref<392x32xf32, #tpu.memory_space<vmem_shared>>) dst(%arg11 : memref<392x32xf32, #tpu.memory_space<vmem>>)
      tpu.yield
    }) : () -> ()
    "tpu.region"() ({
      %run_scoped3A = tpu.sem_alloc : memref<!tpu.dma_semaphore, #tpu.memory_space<semaphore_mem>>
      %dma_start3A = arith.constant 0 : i32
      %dma_start3A_56 = tpu.memref_slice %arg7[%arg0, %multiple_of3A_37, %dma_start3A] : memref<2x50176x32xf32, #tpu.memory_space<hbm>> -> memref<1x392x32xf32, #tpu.memory_space<hbm>>
      %dma_start3A_57 = tpu.memref_squeeze %dma_start3A_56 : memref<1x392x32xf32, #tpu.memory_space<hbm>> -> memref<392x32xf32, #tpu.memory_space<hbm>>
      %dma_start3A_58 = arith.constant 0 : i32
      %dma_start3A_59 = tpu.memref_slice %arg7[%arg0, %multiple_of3A_37, %dma_start3A_58] : memref<2x50176x32xf32, #tpu.memory_space<hbm>> -> memref<1x392x32xf32, #tpu.memory_space<hbm>>
      %dma_start3A_60 = tpu.memref_squeeze %dma_start3A_59 : memref<1x392x32xf32, #tpu.memory_space<hbm>> -> memref<392x32xf32, #tpu.memory_space<hbm>>
      tpu.enqueue_dma source(%arg11 : memref<392x32xf32, #tpu.memory_space<vmem>>) target(%dma_start3A_60 : memref<392x32xf32, #tpu.memory_space<hbm>>) target_semaphore(%run_scoped3A : memref<!tpu.dma_semaphore, #tpu.memory_space<semaphore_mem>>)
      %dma_wait3A = arith.constant 0 : i32
      %dma_wait3A_61 = tpu.memref_slice %arg7[%arg0, %multiple_of3A_37, %dma_wait3A] : memref<2x50176x32xf32, #tpu.memory_space<hbm>> -> memref<1x392x32xf32, #tpu.memory_space<hbm>>
      %dma_wait3A_62 = tpu.memref_squeeze %dma_wait3A_61 : memref<1x392x32xf32, #tpu.memory_space<hbm>> -> memref<392x32xf32, #tpu.memory_space<hbm>>
      %dma_wait3A_63 = arith.constant 0 : i32
      %dma_wait3A_64 = tpu.memref_slice %arg7[%arg0, %multiple_of3A_37, %dma_wait3A_63] : memref<2x50176x32xf32, #tpu.memory_space<hbm>> -> memref<1x392x32xf32, #tpu.memory_space<hbm>>
      %dma_wait3A_65 = tpu.memref_squeeze %dma_wait3A_64 : memref<1x392x32xf32, #tpu.memory_space<hbm>> -> memref<392x32xf32, #tpu.memory_space<hbm>>
      tpu.wait_dma2 semaphore(%run_scoped3A : memref<!tpu.dma_semaphore, #tpu.memory_space<semaphore_mem>>) src(%arg11 : memref<392x32xf32, #tpu.memory_space<vmem>>) dst(%dma_wait3A_65 : memref<392x32xf32, #tpu.memory_space<hbm>>)
      tpu.yield
    }) : () -> ()
    %add3A_38 = arith.constant 784 : i32
    %add3A_39 = arith.addi %multiple_of3A, %add3A_38 : i32
    %multiple_of3A_40 = tpu.assume_multiple %add3A_39, 8 : i32
    "tpu.region"() ({
      %run_scoped3A = tpu.sem_alloc : memref<!tpu.dma_semaphore, #tpu.memory_space<semaphore_mem>>
      %dma_start3A = arith.constant 0 : i32
      %dma_start3A_56 = tpu.memref_slice %arg12[%multiple_of3A_40, %dma_start3A] : memref<50176x32xf32, #tpu.memory_space<vmem_shared>> -> memref<392x32xf32, #tpu.memory_space<vmem_shared>>
      %dma_start3A_57 = arith.constant 0 : i32
      %dma_start3A_58 = tpu.memref_slice %arg12[%multiple_of3A_40, %dma_start3A_57] : memref<50176x32xf32, #tpu.memory_space<vmem_shared>> -> memref<392x32xf32, #tpu.memory_space<vmem_shared>>
      tpu.enqueue_dma source(%dma_start3A_58 : memref<392x32xf32, #tpu.memory_space<vmem_shared>>) target(%arg11 : memref<392x32xf32, #tpu.memory_space<vmem>>) target_semaphore(%run_scoped3A : memref<!tpu.dma_semaphore, #tpu.memory_space<semaphore_mem>>)
      %dma_wait3A = arith.constant 0 : i32
      %dma_wait3A_59 = tpu.memref_slice %arg12[%multiple_of3A_40, %dma_wait3A] : memref<50176x32xf32, #tpu.memory_space<vmem_shared>> -> memref<392x32xf32, #tpu.memory_space<vmem_shared>>
      %dma_wait3A_60 = arith.constant 0 : i32
      %dma_wait3A_61 = tpu.memref_slice %arg12[%multiple_of3A_40, %dma_wait3A_60] : memref<50176x32xf32, #tpu.memory_space<vmem_shared>> -> memref<392x32xf32, #tpu.memory_space<vmem_shared>>
      tpu.wait_dma2 semaphore(%run_scoped3A : memref<!tpu.dma_semaphore, #tpu.memory_space<semaphore_mem>>) src(%dma_wait3A_61 : memref<392x32xf32, #tpu.memory_space<vmem_shared>>) dst(%arg11 : memref<392x32xf32, #tpu.memory_space<vmem>>)
      tpu.yield
    }) : () -> ()
    "tpu.region"() ({
      %run_scoped3A = tpu.sem_alloc : memref<!tpu.dma_semaphore, #tpu.memory_space<semaphore_mem>>
      %dma_start3A = arith.constant 0 : i32
      %dma_start3A_56 = tpu.memref_slice %arg7[%arg0, %multiple_of3A_40, %dma_start3A] : memref<2x50176x32xf32, #tpu.memory_space<hbm>> -> memref<1x392x32xf32, #tpu.memory_space<hbm>>
      %dma_start3A_57 = tpu.memref_squeeze %dma_start3A_56 : memref<1x392x32xf32, #tpu.memory_space<hbm>> -> memref<392x32xf32, #tpu.memory_space<hbm>>
      %dma_start3A_58 = arith.constant 0 : i32
      %dma_start3A_59 = tpu.memref_slice %arg7[%arg0, %multiple_of3A_40, %dma_start3A_58] : memref<2x50176x32xf32, #tpu.memory_space<hbm>> -> memref<1x392x32xf32, #tpu.memory_space<hbm>>
      %dma_start3A_60 = tpu.memref_squeeze %dma_start3A_59 : memref<1x392x32xf32, #tpu.memory_space<hbm>> -> memref<392x32xf32, #tpu.memory_space<hbm>>
      tpu.enqueue_dma source(%arg11 : memref<392x32xf32, #tpu.memory_space<vmem>>) target(%dma_start3A_60 : memref<392x32xf32, #tpu.memory_space<hbm>>) target_semaphore(%run_scoped3A : memref<!tpu.dma_semaphore, #tpu.memory_space<semaphore_mem>>)
      %dma_wait3A = arith.constant 0 : i32
      %dma_wait3A_61 = tpu.memref_slice %arg7[%arg0, %multiple_of3A_40, %dma_wait3A] : memref<2x50176x32xf32, #tpu.memory_space<hbm>> -> memref<1x392x32xf32, #tpu.memory_space<hbm>>
      %dma_wait3A_62 = tpu.memref_squeeze %dma_wait3A_61 : memref<1x392x32xf32, #tpu.memory_space<hbm>> -> memref<392x32xf32, #tpu.memory_space<hbm>>
      %dma_wait3A_63 = arith.constant 0 : i32
      %dma_wait3A_64 = tpu.memref_slice %arg7[%arg0, %multiple_of3A_40, %dma_wait3A_63] : memref<2x50176x32xf32, #tpu.memory_space<hbm>> -> memref<1x392x32xf32, #tpu.memory_space<hbm>>
      %dma_wait3A_65 = tpu.memref_squeeze %dma_wait3A_64 : memref<1x392x32xf32, #tpu.memory_space<hbm>> -> memref<392x32xf32, #tpu.memory_space<hbm>>
      tpu.wait_dma2 semaphore(%run_scoped3A : memref<!tpu.dma_semaphore, #tpu.memory_space<semaphore_mem>>) src(%arg11 : memref<392x32xf32, #tpu.memory_space<vmem>>) dst(%dma_wait3A_65 : memref<392x32xf32, #tpu.memory_space<hbm>>)
      tpu.yield
    }) : () -> ()
    %add3A_41 = arith.constant 1176 : i32
    %add3A_42 = arith.addi %multiple_of3A, %add3A_41 : i32
    %multiple_of3A_43 = tpu.assume_multiple %add3A_42, 8 : i32
    "tpu.region"() ({
      %run_scoped3A = tpu.sem_alloc : memref<!tpu.dma_semaphore, #tpu.memory_space<semaphore_mem>>
      %dma_start3A = arith.constant 0 : i32
      %dma_start3A_56 = tpu.memref_slice %arg12[%multiple_of3A_43, %dma_start3A] : memref<50176x32xf32, #tpu.memory_space<vmem_shared>> -> memref<392x32xf32, #tpu.memory_space<vmem_shared>>
      %dma_start3A_57 = arith.constant 0 : i32
      %dma_start3A_58 = tpu.memref_slice %arg12[%multiple_of3A_43, %dma_start3A_57] : memref<50176x32xf32, #tpu.memory_space<vmem_shared>> -> memref<392x32xf32, #tpu.memory_space<vmem_shared>>
      tpu.enqueue_dma source(%dma_start3A_58 : memref<392x32xf32, #tpu.memory_space<vmem_shared>>) target(%arg11 : memref<392x32xf32, #tpu.memory_space<vmem>>) target_semaphore(%run_scoped3A : memref<!tpu.dma_semaphore, #tpu.memory_space<semaphore_mem>>)
      %dma_wait3A = arith.constant 0 : i32
      %dma_wait3A_59 = tpu.memref_slice %arg12[%multiple_of3A_43, %dma_wait3A] : memref<50176x32xf32, #tpu.memory_space<vmem_shared>> -> memref<392x32xf32, #tpu.memory_space<vmem_shared>>
      %dma_wait3A_60 = arith.constant 0 : i32
      %dma_wait3A_61 = tpu.memref_slice %arg12[%multiple_of3A_43, %dma_wait3A_60] : memref<50176x32xf32, #tpu.memory_space<vmem_shared>> -> memref<392x32xf32, #tpu.memory_space<vmem_shared>>
      tpu.wait_dma2 semaphore(%run_scoped3A : memref<!tpu.dma_semaphore, #tpu.memory_space<semaphore_mem>>) src(%dma_wait3A_61 : memref<392x32xf32, #tpu.memory_space<vmem_shared>>) dst(%arg11 : memref<392x32xf32, #tpu.memory_space<vmem>>)
      tpu.yield
    }) : () -> ()
    "tpu.region"() ({
      %run_scoped3A = tpu.sem_alloc : memref<!tpu.dma_semaphore, #tpu.memory_space<semaphore_mem>>
      %dma_start3A = arith.constant 0 : i32
      %dma_start3A_56 = tpu.memref_slice %arg7[%arg0, %multiple_of3A_43, %dma_start3A] : memref<2x50176x32xf32, #tpu.memory_space<hbm>> -> memref<1x392x32xf32, #tpu.memory_space<hbm>>
      %dma_start3A_57 = tpu.memref_squeeze %dma_start3A_56 : memref<1x392x32xf32, #tpu.memory_space<hbm>> -> memref<392x32xf32, #tpu.memory_space<hbm>>
      %dma_start3A_58 = arith.constant 0 : i32
      %dma_start3A_59 = tpu.memref_slice %arg7[%arg0, %multiple_of3A_43, %dma_start3A_58] : memref<2x50176x32xf32, #tpu.memory_space<hbm>> -> memref<1x392x32xf32, #tpu.memory_space<hbm>>
      %dma_start3A_60 = tpu.memref_squeeze %dma_start3A_59 : memref<1x392x32xf32, #tpu.memory_space<hbm>> -> memref<392x32xf32, #tpu.memory_space<hbm>>
      tpu.enqueue_dma source(%arg11 : memref<392x32xf32, #tpu.memory_space<vmem>>) target(%dma_start3A_60 : memref<392x32xf32, #tpu.memory_space<hbm>>) target_semaphore(%run_scoped3A : memref<!tpu.dma_semaphore, #tpu.memory_space<semaphore_mem>>)
      %dma_wait3A = arith.constant 0 : i32
      %dma_wait3A_61 = tpu.memref_slice %arg7[%arg0, %multiple_of3A_43, %dma_wait3A] : memref<2x50176x32xf32, #tpu.memory_space<hbm>> -> memref<1x392x32xf32, #tpu.memory_space<hbm>>
      %dma_wait3A_62 = tpu.memref_squeeze %dma_wait3A_61 : memref<1x392x32xf32, #tpu.memory_space<hbm>> -> memref<392x32xf32, #tpu.memory_space<hbm>>
      %dma_wait3A_63 = arith.constant 0 : i32
      %dma_wait3A_64 = tpu.memref_slice %arg7[%arg0, %multiple_of3A_43, %dma_wait3A_63] : memref<2x50176x32xf32, #tpu.memory_space<hbm>> -> memref<1x392x32xf32, #tpu.memory_space<hbm>>
      %dma_wait3A_65 = tpu.memref_squeeze %dma_wait3A_64 : memref<1x392x32xf32, #tpu.memory_space<hbm>> -> memref<392x32xf32, #tpu.memory_space<hbm>>
      tpu.wait_dma2 semaphore(%run_scoped3A : memref<!tpu.dma_semaphore, #tpu.memory_space<semaphore_mem>>) src(%arg11 : memref<392x32xf32, #tpu.memory_space<vmem>>) dst(%dma_wait3A_65 : memref<392x32xf32, #tpu.memory_space<hbm>>)
      tpu.yield
    }) : () -> ()
    %add3A_44 = arith.constant 1568 : i32
    %add3A_45 = arith.addi %multiple_of3A, %add3A_44 : i32
    %multiple_of3A_46 = tpu.assume_multiple %add3A_45, 8 : i32
    "tpu.region"() ({
      %run_scoped3A = tpu.sem_alloc : memref<!tpu.dma_semaphore, #tpu.memory_space<semaphore_mem>>
      %dma_start3A = arith.constant 0 : i32
      %dma_start3A_56 = tpu.memref_slice %arg12[%multiple_of3A_46, %dma_start3A] : memref<50176x32xf32, #tpu.memory_space<vmem_shared>> -> memref<392x32xf32, #tpu.memory_space<vmem_shared>>
      %dma_start3A_57 = arith.constant 0 : i32
      %dma_start3A_58 = tpu.memref_slice %arg12[%multiple_of3A_46, %dma_start3A_57] : memref<50176x32xf32, #tpu.memory_space<vmem_shared>> -> memref<392x32xf32, #tpu.memory_space<vmem_shared>>
      tpu.enqueue_dma source(%dma_start3A_58 : memref<392x32xf32, #tpu.memory_space<vmem_shared>>) target(%arg11 : memref<392x32xf32, #tpu.memory_space<vmem>>) target_semaphore(%run_scoped3A : memref<!tpu.dma_semaphore, #tpu.memory_space<semaphore_mem>>)
      %dma_wait3A = arith.constant 0 : i32
      %dma_wait3A_59 = tpu.memref_slice %arg12[%multiple_of3A_46, %dma_wait3A] : memref<50176x32xf32, #tpu.memory_space<vmem_shared>> -> memref<392x32xf32, #tpu.memory_space<vmem_shared>>
      %dma_wait3A_60 = arith.constant 0 : i32
      %dma_wait3A_61 = tpu.memref_slice %arg12[%multiple_of3A_46, %dma_wait3A_60] : memref<50176x32xf32, #tpu.memory_space<vmem_shared>> -> memref<392x32xf32, #tpu.memory_space<vmem_shared>>
      tpu.wait_dma2 semaphore(%run_scoped3A : memref<!tpu.dma_semaphore, #tpu.memory_space<semaphore_mem>>) src(%dma_wait3A_61 : memref<392x32xf32, #tpu.memory_space<vmem_shared>>) dst(%arg11 : memref<392x32xf32, #tpu.memory_space<vmem>>)
      tpu.yield
    }) : () -> ()
    "tpu.region"() ({
      %run_scoped3A = tpu.sem_alloc : memref<!tpu.dma_semaphore, #tpu.memory_space<semaphore_mem>>
      %dma_start3A = arith.constant 0 : i32
      %dma_start3A_56 = tpu.memref_slice %arg7[%arg0, %multiple_of3A_46, %dma_start3A] : memref<2x50176x32xf32, #tpu.memory_space<hbm>> -> memref<1x392x32xf32, #tpu.memory_space<hbm>>
      %dma_start3A_57 = tpu.memref_squeeze %dma_start3A_56 : memref<1x392x32xf32, #tpu.memory_space<hbm>> -> memref<392x32xf32, #tpu.memory_space<hbm>>
      %dma_start3A_58 = arith.constant 0 : i32
      %dma_start3A_59 = tpu.memref_slice %arg7[%arg0, %multiple_of3A_46, %dma_start3A_58] : memref<2x50176x32xf32, #tpu.memory_space<hbm>> -> memref<1x392x32xf32, #tpu.memory_space<hbm>>
      %dma_start3A_60 = tpu.memref_squeeze %dma_start3A_59 : memref<1x392x32xf32, #tpu.memory_space<hbm>> -> memref<392x32xf32, #tpu.memory_space<hbm>>
      tpu.enqueue_dma source(%arg11 : memref<392x32xf32, #tpu.memory_space<vmem>>) target(%dma_start3A_60 : memref<392x32xf32, #tpu.memory_space<hbm>>) target_semaphore(%run_scoped3A : memref<!tpu.dma_semaphore, #tpu.memory_space<semaphore_mem>>)
      %dma_wait3A = arith.constant 0 : i32
      %dma_wait3A_61 = tpu.memref_slice %arg7[%arg0, %multiple_of3A_46, %dma_wait3A] : memref<2x50176x32xf32, #tpu.memory_space<hbm>> -> memref<1x392x32xf32, #tpu.memory_space<hbm>>
      %dma_wait3A_62 = tpu.memref_squeeze %dma_wait3A_61 : memref<1x392x32xf32, #tpu.memory_space<hbm>> -> memref<392x32xf32, #tpu.memory_space<hbm>>
      %dma_wait3A_63 = arith.constant 0 : i32
      %dma_wait3A_64 = tpu.memref_slice %arg7[%arg0, %multiple_of3A_46, %dma_wait3A_63] : memref<2x50176x32xf32, #tpu.memory_space<hbm>> -> memref<1x392x32xf32, #tpu.memory_space<hbm>>
      %dma_wait3A_65 = tpu.memref_squeeze %dma_wait3A_64 : memref<1x392x32xf32, #tpu.memory_space<hbm>> -> memref<392x32xf32, #tpu.memory_space<hbm>>
      tpu.wait_dma2 semaphore(%run_scoped3A : memref<!tpu.dma_semaphore, #tpu.memory_space<semaphore_mem>>) src(%arg11 : memref<392x32xf32, #tpu.memory_space<vmem>>) dst(%dma_wait3A_65 : memref<392x32xf32, #tpu.memory_space<hbm>>)
      tpu.yield
    }) : () -> ()
    %add3A_47 = arith.constant 1960 : i32
    %add3A_48 = arith.addi %multiple_of3A, %add3A_47 : i32
    %multiple_of3A_49 = tpu.assume_multiple %add3A_48, 8 : i32
    "tpu.region"() ({
      %run_scoped3A = tpu.sem_alloc : memref<!tpu.dma_semaphore, #tpu.memory_space<semaphore_mem>>
      %dma_start3A = arith.constant 0 : i32
      %dma_start3A_56 = tpu.memref_slice %arg12[%multiple_of3A_49, %dma_start3A] : memref<50176x32xf32, #tpu.memory_space<vmem_shared>> -> memref<392x32xf32, #tpu.memory_space<vmem_shared>>
      %dma_start3A_57 = arith.constant 0 : i32
      %dma_start3A_58 = tpu.memref_slice %arg12[%multiple_of3A_49, %dma_start3A_57] : memref<50176x32xf32, #tpu.memory_space<vmem_shared>> -> memref<392x32xf32, #tpu.memory_space<vmem_shared>>
      tpu.enqueue_dma source(%dma_start3A_58 : memref<392x32xf32, #tpu.memory_space<vmem_shared>>) target(%arg11 : memref<392x32xf32, #tpu.memory_space<vmem>>) target_semaphore(%run_scoped3A : memref<!tpu.dma_semaphore, #tpu.memory_space<semaphore_mem>>)
      %dma_wait3A = arith.constant 0 : i32
      %dma_wait3A_59 = tpu.memref_slice %arg12[%multiple_of3A_49, %dma_wait3A] : memref<50176x32xf32, #tpu.memory_space<vmem_shared>> -> memref<392x32xf32, #tpu.memory_space<vmem_shared>>
      %dma_wait3A_60 = arith.constant 0 : i32
      %dma_wait3A_61 = tpu.memref_slice %arg12[%multiple_of3A_49, %dma_wait3A_60] : memref<50176x32xf32, #tpu.memory_space<vmem_shared>> -> memref<392x32xf32, #tpu.memory_space<vmem_shared>>
      tpu.wait_dma2 semaphore(%run_scoped3A : memref<!tpu.dma_semaphore, #tpu.memory_space<semaphore_mem>>) src(%dma_wait3A_61 : memref<392x32xf32, #tpu.memory_space<vmem_shared>>) dst(%arg11 : memref<392x32xf32, #tpu.memory_space<vmem>>)
      tpu.yield
    }) : () -> ()
    "tpu.region"() ({
      %run_scoped3A = tpu.sem_alloc : memref<!tpu.dma_semaphore, #tpu.memory_space<semaphore_mem>>
      %dma_start3A = arith.constant 0 : i32
      %dma_start3A_56 = tpu.memref_slice %arg7[%arg0, %multiple_of3A_49, %dma_start3A] : memref<2x50176x32xf32, #tpu.memory_space<hbm>> -> memref<1x392x32xf32, #tpu.memory_space<hbm>>
      %dma_start3A_57 = tpu.memref_squeeze %dma_start3A_56 : memref<1x392x32xf32, #tpu.memory_space<hbm>> -> memref<392x32xf32, #tpu.memory_space<hbm>>
      %dma_start3A_58 = arith.constant 0 : i32
      %dma_start3A_59 = tpu.memref_slice %arg7[%arg0, %multiple_of3A_49, %dma_start3A_58] : memref<2x50176x32xf32, #tpu.memory_space<hbm>> -> memref<1x392x32xf32, #tpu.memory_space<hbm>>
      %dma_start3A_60 = tpu.memref_squeeze %dma_start3A_59 : memref<1x392x32xf32, #tpu.memory_space<hbm>> -> memref<392x32xf32, #tpu.memory_space<hbm>>
      tpu.enqueue_dma source(%arg11 : memref<392x32xf32, #tpu.memory_space<vmem>>) target(%dma_start3A_60 : memref<392x32xf32, #tpu.memory_space<hbm>>) target_semaphore(%run_scoped3A : memref<!tpu.dma_semaphore, #tpu.memory_space<semaphore_mem>>)
      %dma_wait3A = arith.constant 0 : i32
      %dma_wait3A_61 = tpu.memref_slice %arg7[%arg0, %multiple_of3A_49, %dma_wait3A] : memref<2x50176x32xf32, #tpu.memory_space<hbm>> -> memref<1x392x32xf32, #tpu.memory_space<hbm>>
      %dma_wait3A_62 = tpu.memref_squeeze %dma_wait3A_61 : memref<1x392x32xf32, #tpu.memory_space<hbm>> -> memref<392x32xf32, #tpu.memory_space<hbm>>
      %dma_wait3A_63 = arith.constant 0 : i32
      %dma_wait3A_64 = tpu.memref_slice %arg7[%arg0, %multiple_of3A_49, %dma_wait3A_63] : memref<2x50176x32xf32, #tpu.memory_space<hbm>> -> memref<1x392x32xf32, #tpu.memory_space<hbm>>
      %dma_wait3A_65 = tpu.memref_squeeze %dma_wait3A_64 : memref<1x392x32xf32, #tpu.memory_space<hbm>> -> memref<392x32xf32, #tpu.memory_space<hbm>>
      tpu.wait_dma2 semaphore(%run_scoped3A : memref<!tpu.dma_semaphore, #tpu.memory_space<semaphore_mem>>) src(%arg11 : memref<392x32xf32, #tpu.memory_space<vmem>>) dst(%dma_wait3A_65 : memref<392x32xf32, #tpu.memory_space<hbm>>)
      tpu.yield
    }) : () -> ()
    %add3A_50 = arith.constant 2352 : i32
    %add3A_51 = arith.addi %multiple_of3A, %add3A_50 : i32
    %multiple_of3A_52 = tpu.assume_multiple %add3A_51, 8 : i32
    "tpu.region"() ({
      %run_scoped3A = tpu.sem_alloc : memref<!tpu.dma_semaphore, #tpu.memory_space<semaphore_mem>>
      %dma_start3A = arith.constant 0 : i32
      %dma_start3A_56 = tpu.memref_slice %arg12[%multiple_of3A_52, %dma_start3A] : memref<50176x32xf32, #tpu.memory_space<vmem_shared>> -> memref<392x32xf32, #tpu.memory_space<vmem_shared>>
      %dma_start3A_57 = arith.constant 0 : i32
      %dma_start3A_58 = tpu.memref_slice %arg12[%multiple_of3A_52, %dma_start3A_57] : memref<50176x32xf32, #tpu.memory_space<vmem_shared>> -> memref<392x32xf32, #tpu.memory_space<vmem_shared>>
      tpu.enqueue_dma source(%dma_start3A_58 : memref<392x32xf32, #tpu.memory_space<vmem_shared>>) target(%arg11 : memref<392x32xf32, #tpu.memory_space<vmem>>) target_semaphore(%run_scoped3A : memref<!tpu.dma_semaphore, #tpu.memory_space<semaphore_mem>>)
      %dma_wait3A = arith.constant 0 : i32
      %dma_wait3A_59 = tpu.memref_slice %arg12[%multiple_of3A_52, %dma_wait3A] : memref<50176x32xf32, #tpu.memory_space<vmem_shared>> -> memref<392x32xf32, #tpu.memory_space<vmem_shared>>
      %dma_wait3A_60 = arith.constant 0 : i32
      %dma_wait3A_61 = tpu.memref_slice %arg12[%multiple_of3A_52, %dma_wait3A_60] : memref<50176x32xf32, #tpu.memory_space<vmem_shared>> -> memref<392x32xf32, #tpu.memory_space<vmem_shared>>
      tpu.wait_dma2 semaphore(%run_scoped3A : memref<!tpu.dma_semaphore, #tpu.memory_space<semaphore_mem>>) src(%dma_wait3A_61 : memref<392x32xf32, #tpu.memory_space<vmem_shared>>) dst(%arg11 : memref<392x32xf32, #tpu.memory_space<vmem>>)
      tpu.yield
    }) : () -> ()
    "tpu.region"() ({
      %run_scoped3A = tpu.sem_alloc : memref<!tpu.dma_semaphore, #tpu.memory_space<semaphore_mem>>
      %dma_start3A = arith.constant 0 : i32
      %dma_start3A_56 = tpu.memref_slice %arg7[%arg0, %multiple_of3A_52, %dma_start3A] : memref<2x50176x32xf32, #tpu.memory_space<hbm>> -> memref<1x392x32xf32, #tpu.memory_space<hbm>>
      %dma_start3A_57 = tpu.memref_squeeze %dma_start3A_56 : memref<1x392x32xf32, #tpu.memory_space<hbm>> -> memref<392x32xf32, #tpu.memory_space<hbm>>
      %dma_start3A_58 = arith.constant 0 : i32
      %dma_start3A_59 = tpu.memref_slice %arg7[%arg0, %multiple_of3A_52, %dma_start3A_58] : memref<2x50176x32xf32, #tpu.memory_space<hbm>> -> memref<1x392x32xf32, #tpu.memory_space<hbm>>
      %dma_start3A_60 = tpu.memref_squeeze %dma_start3A_59 : memref<1x392x32xf32, #tpu.memory_space<hbm>> -> memref<392x32xf32, #tpu.memory_space<hbm>>
      tpu.enqueue_dma source(%arg11 : memref<392x32xf32, #tpu.memory_space<vmem>>) target(%dma_start3A_60 : memref<392x32xf32, #tpu.memory_space<hbm>>) target_semaphore(%run_scoped3A : memref<!tpu.dma_semaphore, #tpu.memory_space<semaphore_mem>>)
      %dma_wait3A = arith.constant 0 : i32
      %dma_wait3A_61 = tpu.memref_slice %arg7[%arg0, %multiple_of3A_52, %dma_wait3A] : memref<2x50176x32xf32, #tpu.memory_space<hbm>> -> memref<1x392x32xf32, #tpu.memory_space<hbm>>
      %dma_wait3A_62 = tpu.memref_squeeze %dma_wait3A_61 : memref<1x392x32xf32, #tpu.memory_space<hbm>> -> memref<392x32xf32, #tpu.memory_space<hbm>>
      %dma_wait3A_63 = arith.constant 0 : i32
      %dma_wait3A_64 = tpu.memref_slice %arg7[%arg0, %multiple_of3A_52, %dma_wait3A_63] : memref<2x50176x32xf32, #tpu.memory_space<hbm>> -> memref<1x392x32xf32, #tpu.memory_space<hbm>>
      %dma_wait3A_65 = tpu.memref_squeeze %dma_wait3A_64 : memref<1x392x32xf32, #tpu.memory_space<hbm>> -> memref<392x32xf32, #tpu.memory_space<hbm>>
      tpu.wait_dma2 semaphore(%run_scoped3A : memref<!tpu.dma_semaphore, #tpu.memory_space<semaphore_mem>>) src(%arg11 : memref<392x32xf32, #tpu.memory_space<vmem>>) dst(%dma_wait3A_65 : memref<392x32xf32, #tpu.memory_space<hbm>>)
      tpu.yield
    }) : () -> ()
    %add3A_53 = arith.constant 2744 : i32
    %add3A_54 = arith.addi %multiple_of3A, %add3A_53 : i32
    %multiple_of3A_55 = tpu.assume_multiple %add3A_54, 8 : i32
    "tpu.region"() ({
      %run_scoped3A = tpu.sem_alloc : memref<!tpu.dma_semaphore, #tpu.memory_space<semaphore_mem>>
      %dma_start3A = arith.constant 0 : i32
      %dma_start3A_56 = tpu.memref_slice %arg12[%multiple_of3A_55, %dma_start3A] : memref<50176x32xf32, #tpu.memory_space<vmem_shared>> -> memref<392x32xf32, #tpu.memory_space<vmem_shared>>
      %dma_start3A_57 = arith.constant 0 : i32
      %dma_start3A_58 = tpu.memref_slice %arg12[%multiple_of3A_55, %dma_start3A_57] : memref<50176x32xf32, #tpu.memory_space<vmem_shared>> -> memref<392x32xf32, #tpu.memory_space<vmem_shared>>
      tpu.enqueue_dma source(%dma_start3A_58 : memref<392x32xf32, #tpu.memory_space<vmem_shared>>) target(%arg11 : memref<392x32xf32, #tpu.memory_space<vmem>>) target_semaphore(%run_scoped3A : memref<!tpu.dma_semaphore, #tpu.memory_space<semaphore_mem>>)
      %dma_wait3A = arith.constant 0 : i32
      %dma_wait3A_59 = tpu.memref_slice %arg12[%multiple_of3A_55, %dma_wait3A] : memref<50176x32xf32, #tpu.memory_space<vmem_shared>> -> memref<392x32xf32, #tpu.memory_space<vmem_shared>>
      %dma_wait3A_60 = arith.constant 0 : i32
      %dma_wait3A_61 = tpu.memref_slice %arg12[%multiple_of3A_55, %dma_wait3A_60] : memref<50176x32xf32, #tpu.memory_space<vmem_shared>> -> memref<392x32xf32, #tpu.memory_space<vmem_shared>>
      tpu.wait_dma2 semaphore(%run_scoped3A : memref<!tpu.dma_semaphore, #tpu.memory_space<semaphore_mem>>) src(%dma_wait3A_61 : memref<392x32xf32, #tpu.memory_space<vmem_shared>>) dst(%arg11 : memref<392x32xf32, #tpu.memory_space<vmem>>)
      tpu.yield
    }) : () -> ()
    "tpu.region"() ({
      %run_scoped3A = tpu.sem_alloc : memref<!tpu.dma_semaphore, #tpu.memory_space<semaphore_mem>>
      %dma_start3A = arith.constant 0 : i32
      %dma_start3A_56 = tpu.memref_slice %arg7[%arg0, %multiple_of3A_55, %dma_start3A] : memref<2x50176x32xf32, #tpu.memory_space<hbm>> -> memref<1x392x32xf32, #tpu.memory_space<hbm>>
      %dma_start3A_57 = tpu.memref_squeeze %dma_start3A_56 : memref<1x392x32xf32, #tpu.memory_space<hbm>> -> memref<392x32xf32, #tpu.memory_space<hbm>>
      %dma_start3A_58 = arith.constant 0 : i32
      %dma_start3A_59 = tpu.memref_slice %arg7[%arg0, %multiple_of3A_55, %dma_start3A_58] : memref<2x50176x32xf32, #tpu.memory_space<hbm>> -> memref<1x392x32xf32, #tpu.memory_space<hbm>>
      %dma_start3A_60 = tpu.memref_squeeze %dma_start3A_59 : memref<1x392x32xf32, #tpu.memory_space<hbm>> -> memref<392x32xf32, #tpu.memory_space<hbm>>
      tpu.enqueue_dma source(%arg11 : memref<392x32xf32, #tpu.memory_space<vmem>>) target(%dma_start3A_60 : memref<392x32xf32, #tpu.memory_space<hbm>>) target_semaphore(%run_scoped3A : memref<!tpu.dma_semaphore, #tpu.memory_space<semaphore_mem>>)
      %dma_wait3A = arith.constant 0 : i32
      %dma_wait3A_61 = tpu.memref_slice %arg7[%arg0, %multiple_of3A_55, %dma_wait3A] : memref<2x50176x32xf32, #tpu.memory_space<hbm>> -> memref<1x392x32xf32, #tpu.memory_space<hbm>>
      %dma_wait3A_62 = tpu.memref_squeeze %dma_wait3A_61 : memref<1x392x32xf32, #tpu.memory_space<hbm>> -> memref<392x32xf32, #tpu.memory_space<hbm>>
      %dma_wait3A_63 = arith.constant 0 : i32
      %dma_wait3A_64 = tpu.memref_slice %arg7[%arg0, %multiple_of3A_55, %dma_wait3A_63] : memref<2x50176x32xf32, #tpu.memory_space<hbm>> -> memref<1x392x32xf32, #tpu.memory_space<hbm>>
      %dma_wait3A_65 = tpu.memref_squeeze %dma_wait3A_64 : memref<1x392x32xf32, #tpu.memory_space<hbm>> -> memref<392x32xf32, #tpu.memory_space<hbm>>
      tpu.wait_dma2 semaphore(%run_scoped3A : memref<!tpu.dma_semaphore, #tpu.memory_space<semaphore_mem>>) src(%arg11 : memref<392x32xf32, #tpu.memory_space<vmem>>) dst(%dma_wait3A_65 : memref<392x32xf32, #tpu.memory_space<hbm>>)
      tpu.yield
    }) : () -> ()
    return
  }
}

#map = affine_map<(d0, d1) -> (0, 0)>
#map1 = affine_map<(d0, d1) -> (0)>
#map2 = affine_map<(d0, d1) -> (0, 0, 0)>
module attributes {stable_mosaic.version = 14 : i64} {
  func.func @_sc_agg2(%arg0: i32, %arg1: i32, %arg2: memref<50000x16xf32, #tpu.memory_space<hbm>>, %arg3: memref<802816xi32, #tpu.memory_space<hbm>>, %arg4: memref<802816xi32, #tpu.memory_space<hbm>>, %arg5: memref<50176x16xf32, #tpu.memory_space<hbm>>, %arg6: memref<2x50176x16xf32, #tpu.memory_space<hbm>>, %arg7: memref<128xi32, #tpu.memory_space<vmem>>, %arg8: memref<128xi32, #tpu.memory_space<vmem>>, %arg9: memref<128x16xf32, #tpu.memory_space<vmem>>, %arg10: memref<3136x16xf32, #tpu.memory_space<vmem>>, %arg11: memref<50176x16xf32, #tpu.memory_space<vmem_shared>>) attributes {dimension_semantics = [#tpu.dimension_semantics<core_parallel>, #tpu.dimension_semantics<subcore_parallel>], iteration_bounds = array<i64: 2, 16>, scalar_prefetch = 0 : i64, scratch_operands = 5 : i64, tpu.core_type = #tpu.core_type<sc_vector_subcore>, window_params = [{transform_indices = #map}, {transform_indices = #map1}, {transform_indices = #map1}, {transform_indices = #map}, {transform_indices = #map2}]} {
    %mul3A = arith.constant 3136 : i32
    %mul3A_0 = arith.muli %arg1, %mul3A : i32
    %multiple_of3A = tpu.assume_multiple %mul3A_0, 8 : i32
    "tpu.region"() ({
      %run_scoped3A = tpu.sem_alloc : memref<!tpu.dma_semaphore, #tpu.memory_space<semaphore_mem>>
      %dma_start3A = arith.constant 0 : i32
      %dma_start3A_11 = tpu.memref_slice %arg5[%multiple_of3A, %dma_start3A] : memref<50176x16xf32, #tpu.memory_space<hbm>> -> memref<3136x16xf32, #tpu.memory_space<hbm>>
      %dma_start3A_12 = arith.constant 0 : i32
      %dma_start3A_13 = tpu.memref_slice %arg5[%multiple_of3A, %dma_start3A_12] : memref<50176x16xf32, #tpu.memory_space<hbm>> -> memref<3136x16xf32, #tpu.memory_space<hbm>>
      tpu.enqueue_dma source(%dma_start3A_13 : memref<3136x16xf32, #tpu.memory_space<hbm>>) target(%arg10 : memref<3136x16xf32, #tpu.memory_space<vmem>>) target_semaphore(%run_scoped3A : memref<!tpu.dma_semaphore, #tpu.memory_space<semaphore_mem>>)
      %dma_wait3A = arith.constant 0 : i32
      %dma_wait3A_14 = tpu.memref_slice %arg5[%multiple_of3A, %dma_wait3A] : memref<50176x16xf32, #tpu.memory_space<hbm>> -> memref<3136x16xf32, #tpu.memory_space<hbm>>
      %dma_wait3A_15 = arith.constant 0 : i32
      %dma_wait3A_16 = tpu.memref_slice %arg5[%multiple_of3A, %dma_wait3A_15] : memref<50176x16xf32, #tpu.memory_space<hbm>> -> memref<3136x16xf32, #tpu.memory_space<hbm>>
      tpu.wait_dma2 semaphore(%run_scoped3A : memref<!tpu.dma_semaphore, #tpu.memory_space<semaphore_mem>>) src(%dma_wait3A_16 : memref<3136x16xf32, #tpu.memory_space<hbm>>) dst(%arg10 : memref<3136x16xf32, #tpu.memory_space<vmem>>)
      tpu.yield
    }) : () -> ()
    "tpu.region"() ({
      %run_scoped3A = tpu.sem_alloc : memref<!tpu.dma_semaphore, #tpu.memory_space<semaphore_mem>>
      %dma_start3A = arith.constant 0 : i32
      %dma_start3A_11 = tpu.memref_slice %arg11[%multiple_of3A, %dma_start3A] : memref<50176x16xf32, #tpu.memory_space<vmem_shared>> -> memref<3136x16xf32, #tpu.memory_space<vmem_shared>>
      %dma_start3A_12 = arith.constant 0 : i32
      %dma_start3A_13 = tpu.memref_slice %arg11[%multiple_of3A, %dma_start3A_12] : memref<50176x16xf32, #tpu.memory_space<vmem_shared>> -> memref<3136x16xf32, #tpu.memory_space<vmem_shared>>
      tpu.enqueue_dma source(%arg10 : memref<3136x16xf32, #tpu.memory_space<vmem>>) target(%dma_start3A_13 : memref<3136x16xf32, #tpu.memory_space<vmem_shared>>) target_semaphore(%run_scoped3A : memref<!tpu.dma_semaphore, #tpu.memory_space<semaphore_mem>>)
      %dma_wait3A = arith.constant 0 : i32
      %dma_wait3A_14 = tpu.memref_slice %arg11[%multiple_of3A, %dma_wait3A] : memref<50176x16xf32, #tpu.memory_space<vmem_shared>> -> memref<3136x16xf32, #tpu.memory_space<vmem_shared>>
      %dma_wait3A_15 = arith.constant 0 : i32
      %dma_wait3A_16 = tpu.memref_slice %arg11[%multiple_of3A, %dma_wait3A_15] : memref<50176x16xf32, #tpu.memory_space<vmem_shared>> -> memref<3136x16xf32, #tpu.memory_space<vmem_shared>>
      tpu.wait_dma2 semaphore(%run_scoped3A : memref<!tpu.dma_semaphore, #tpu.memory_space<semaphore_mem>>) src(%arg10 : memref<3136x16xf32, #tpu.memory_space<vmem>>) dst(%dma_wait3A_16 : memref<3136x16xf32, #tpu.memory_space<vmem_shared>>)
      tpu.yield
    }) : () -> ()
    %barrier3A = arith.constant 0 : index
    tpu.barrier barrier_id(%barrier3A)
    %mul3A_1 = arith.constant 2 : i32
    %mul3A_2 = arith.muli %arg1, %mul3A_1 : i32
    %add3A = arith.addi %mul3A_2, %arg0 : i32
    %mul3A_3 = arith.constant 25088 : i32
    %mul3A_4 = arith.muli %add3A, %mul3A_3 : i32
    %scan3A = arith.constant 0 : i32
    %scan3A_5 = arith.constant 0 : i32
    %scan3A_6 = arith.constant 196 : i32
    %scan3A_7 = arith.addi %scan3A_5, %scan3A_6 : i32
    %scan3A_8 = arith.constant 1 : i32
    scf.for %scan3A_11 = %scan3A_5 to %scan3A_7 step %scan3A_8  : i32 {
      %mul3A_12 = arith.constant 128 : i32
      %mul3A_13 = arith.muli %scan3A_11, %mul3A_12 : i32
      %add3A_14 = arith.addi %mul3A_4, %mul3A_13 : i32
      %multiple_of3A_15 = tpu.assume_multiple %add3A_14, 8 : i32
      "tpu.region"() ({
        %run_scoped3A = tpu.sem_alloc : memref<!tpu.dma_semaphore, #tpu.memory_space<semaphore_mem>>
        %dma_start3A = tpu.memref_slice %arg3[%multiple_of3A_15] : memref<802816xi32, #tpu.memory_space<hbm>> -> memref<128xi32, #tpu.memory_space<hbm>>
        %dma_start3A_16 = tpu.memref_slice %arg3[%multiple_of3A_15] : memref<802816xi32, #tpu.memory_space<hbm>> -> memref<128xi32, #tpu.memory_space<hbm>>
        tpu.enqueue_dma source(%dma_start3A_16 : memref<128xi32, #tpu.memory_space<hbm>>) target(%arg7 : memref<128xi32, #tpu.memory_space<vmem>>) target_semaphore(%run_scoped3A : memref<!tpu.dma_semaphore, #tpu.memory_space<semaphore_mem>>)
        %dma_wait3A = tpu.memref_slice %arg3[%multiple_of3A_15] : memref<802816xi32, #tpu.memory_space<hbm>> -> memref<128xi32, #tpu.memory_space<hbm>>
        %dma_wait3A_17 = tpu.memref_slice %arg3[%multiple_of3A_15] : memref<802816xi32, #tpu.memory_space<hbm>> -> memref<128xi32, #tpu.memory_space<hbm>>
        tpu.wait_dma2 semaphore(%run_scoped3A : memref<!tpu.dma_semaphore, #tpu.memory_space<semaphore_mem>>) src(%dma_wait3A_17 : memref<128xi32, #tpu.memory_space<hbm>>) dst(%arg7 : memref<128xi32, #tpu.memory_space<vmem>>)
        tpu.yield
      }) : () -> ()
      "tpu.region"() ({
        %run_scoped3A = tpu.sem_alloc : memref<!tpu.dma_semaphore, #tpu.memory_space<semaphore_mem>>
        %dma_start3A = tpu.memref_slice %arg4[%multiple_of3A_15] : memref<802816xi32, #tpu.memory_space<hbm>> -> memref<128xi32, #tpu.memory_space<hbm>>
        %dma_start3A_16 = tpu.memref_slice %arg4[%multiple_of3A_15] : memref<802816xi32, #tpu.memory_space<hbm>> -> memref<128xi32, #tpu.memory_space<hbm>>
        tpu.enqueue_dma source(%dma_start3A_16 : memref<128xi32, #tpu.memory_space<hbm>>) target(%arg8 : memref<128xi32, #tpu.memory_space<vmem>>) target_semaphore(%run_scoped3A : memref<!tpu.dma_semaphore, #tpu.memory_space<semaphore_mem>>)
        %dma_wait3A = tpu.memref_slice %arg4[%multiple_of3A_15] : memref<802816xi32, #tpu.memory_space<hbm>> -> memref<128xi32, #tpu.memory_space<hbm>>
        %dma_wait3A_17 = tpu.memref_slice %arg4[%multiple_of3A_15] : memref<802816xi32, #tpu.memory_space<hbm>> -> memref<128xi32, #tpu.memory_space<hbm>>
        tpu.wait_dma2 semaphore(%run_scoped3A : memref<!tpu.dma_semaphore, #tpu.memory_space<semaphore_mem>>) src(%dma_wait3A_17 : memref<128xi32, #tpu.memory_space<hbm>>) dst(%arg8 : memref<128xi32, #tpu.memory_space<vmem>>)
        tpu.yield
      }) : () -> ()
      "tpu.region"() ({
        %run_scoped3A = tpu.sem_alloc : memref<!tpu.dma_semaphore, #tpu.memory_space<semaphore_mem>>
        %dma_start3A = arith.constant 0 : i32
        %dma_start3A_16 = arith.constant 0 : i32
        %dma_start3A_17 = tpu.memref_slice %arg2[%dma_start3A, %dma_start3A_16] : memref<50000x16xf32, #tpu.memory_space<hbm>> -> memref<50000x16xf32, #tpu.memory_space<hbm>>
        tpu.enqueue_indirect_dma source(%dma_start3A_17 : memref<50000x16xf32, #tpu.memory_space<hbm>>) target(%arg9 : memref<128x16xf32, #tpu.memory_space<vmem>>) offsets(%arg7 : memref<128xi32, #tpu.memory_space<vmem>>) semaphore(%run_scoped3A : memref<!tpu.dma_semaphore, #tpu.memory_space<semaphore_mem>>)
        %dma_wait3A = arith.constant 0 : i32
        %dma_wait3A_18 = arith.constant 0 : i32
        %dma_wait3A_19 = tpu.memref_slice %arg2[%dma_wait3A, %dma_wait3A_18] : memref<50000x16xf32, #tpu.memory_space<hbm>> -> memref<50000x16xf32, #tpu.memory_space<hbm>>
        tpu.wait_indirect_dma semaphore(%run_scoped3A : memref<!tpu.dma_semaphore, #tpu.memory_space<semaphore_mem>>) src(%dma_wait3A_19 : memref<50000x16xf32, #tpu.memory_space<hbm>>) dst(%arg9 : memref<128x16xf32, #tpu.memory_space<vmem>>)
        tpu.yield
      }) : () -> ()
      "tpu.region"() ({
        %run_scoped3A = tpu.sem_alloc : memref<!tpu.dma_semaphore, #tpu.memory_space<semaphore_mem>>
        %dma_start3A = arith.constant 0 : i32
        %dma_start3A_16 = arith.constant 0 : i32
        %dma_start3A_17 = tpu.memref_slice %arg11[%dma_start3A, %dma_start3A_16] : memref<50176x16xf32, #tpu.memory_space<vmem_shared>> -> memref<50176x16xf32, #tpu.memory_space<vmem_shared>>
        tpu.enqueue_indirect_dma source(%arg9 : memref<128x16xf32, #tpu.memory_space<vmem>>) target(%dma_start3A_17 : memref<50176x16xf32, #tpu.memory_space<vmem_shared>>) offsets(%arg8 : memref<128xi32, #tpu.memory_space<vmem>>) semaphore(%run_scoped3A : memref<!tpu.dma_semaphore, #tpu.memory_space<semaphore_mem>>) {add = true}
        %dma_wait3A = arith.constant 0 : i32
        %dma_wait3A_18 = arith.constant 0 : i32
        %dma_wait3A_19 = tpu.memref_slice %arg11[%dma_wait3A, %dma_wait3A_18] : memref<50176x16xf32, #tpu.memory_space<vmem_shared>> -> memref<50176x16xf32, #tpu.memory_space<vmem_shared>>
        tpu.wait_indirect_dma semaphore(%run_scoped3A : memref<!tpu.dma_semaphore, #tpu.memory_space<semaphore_mem>>) src(%arg9 : memref<128x16xf32, #tpu.memory_space<vmem>>) dst(%dma_wait3A_19 : memref<50176x16xf32, #tpu.memory_space<vmem_shared>>)
        tpu.yield
      }) : () -> ()
    }
    %scan3A_9 = arith.constant 196 : i32
    %barrier3A_10 = arith.constant 0 : index
    tpu.barrier barrier_id(%barrier3A_10)
    "tpu.region"() ({
      %run_scoped3A = tpu.sem_alloc : memref<!tpu.dma_semaphore, #tpu.memory_space<semaphore_mem>>
      %dma_start3A = arith.constant 0 : i32
      %dma_start3A_11 = tpu.memref_slice %arg11[%multiple_of3A, %dma_start3A] : memref<50176x16xf32, #tpu.memory_space<vmem_shared>> -> memref<3136x16xf32, #tpu.memory_space<vmem_shared>>
      %dma_start3A_12 = arith.constant 0 : i32
      %dma_start3A_13 = tpu.memref_slice %arg11[%multiple_of3A, %dma_start3A_12] : memref<50176x16xf32, #tpu.memory_space<vmem_shared>> -> memref<3136x16xf32, #tpu.memory_space<vmem_shared>>
      tpu.enqueue_dma source(%dma_start3A_13 : memref<3136x16xf32, #tpu.memory_space<vmem_shared>>) target(%arg10 : memref<3136x16xf32, #tpu.memory_space<vmem>>) target_semaphore(%run_scoped3A : memref<!tpu.dma_semaphore, #tpu.memory_space<semaphore_mem>>)
      %dma_wait3A = arith.constant 0 : i32
      %dma_wait3A_14 = tpu.memref_slice %arg11[%multiple_of3A, %dma_wait3A] : memref<50176x16xf32, #tpu.memory_space<vmem_shared>> -> memref<3136x16xf32, #tpu.memory_space<vmem_shared>>
      %dma_wait3A_15 = arith.constant 0 : i32
      %dma_wait3A_16 = tpu.memref_slice %arg11[%multiple_of3A, %dma_wait3A_15] : memref<50176x16xf32, #tpu.memory_space<vmem_shared>> -> memref<3136x16xf32, #tpu.memory_space<vmem_shared>>
      tpu.wait_dma2 semaphore(%run_scoped3A : memref<!tpu.dma_semaphore, #tpu.memory_space<semaphore_mem>>) src(%dma_wait3A_16 : memref<3136x16xf32, #tpu.memory_space<vmem_shared>>) dst(%arg10 : memref<3136x16xf32, #tpu.memory_space<vmem>>)
      tpu.yield
    }) : () -> ()
    "tpu.region"() ({
      %run_scoped3A = tpu.sem_alloc : memref<!tpu.dma_semaphore, #tpu.memory_space<semaphore_mem>>
      %dma_start3A = arith.constant 0 : i32
      %dma_start3A_11 = tpu.memref_slice %arg6[%arg0, %multiple_of3A, %dma_start3A] : memref<2x50176x16xf32, #tpu.memory_space<hbm>> -> memref<1x3136x16xf32, #tpu.memory_space<hbm>>
      %dma_start3A_12 = tpu.memref_squeeze %dma_start3A_11 : memref<1x3136x16xf32, #tpu.memory_space<hbm>> -> memref<3136x16xf32, #tpu.memory_space<hbm>>
      %dma_start3A_13 = arith.constant 0 : i32
      %dma_start3A_14 = tpu.memref_slice %arg6[%arg0, %multiple_of3A, %dma_start3A_13] : memref<2x50176x16xf32, #tpu.memory_space<hbm>> -> memref<1x3136x16xf32, #tpu.memory_space<hbm>>
      %dma_start3A_15 = tpu.memref_squeeze %dma_start3A_14 : memref<1x3136x16xf32, #tpu.memory_space<hbm>> -> memref<3136x16xf32, #tpu.memory_space<hbm>>
      tpu.enqueue_dma source(%arg10 : memref<3136x16xf32, #tpu.memory_space<vmem>>) target(%dma_start3A_15 : memref<3136x16xf32, #tpu.memory_space<hbm>>) target_semaphore(%run_scoped3A : memref<!tpu.dma_semaphore, #tpu.memory_space<semaphore_mem>>)
      %dma_wait3A = arith.constant 0 : i32
      %dma_wait3A_16 = tpu.memref_slice %arg6[%arg0, %multiple_of3A, %dma_wait3A] : memref<2x50176x16xf32, #tpu.memory_space<hbm>> -> memref<1x3136x16xf32, #tpu.memory_space<hbm>>
      %dma_wait3A_17 = tpu.memref_squeeze %dma_wait3A_16 : memref<1x3136x16xf32, #tpu.memory_space<hbm>> -> memref<3136x16xf32, #tpu.memory_space<hbm>>
      %dma_wait3A_18 = arith.constant 0 : i32
      %dma_wait3A_19 = tpu.memref_slice %arg6[%arg0, %multiple_of3A, %dma_wait3A_18] : memref<2x50176x16xf32, #tpu.memory_space<hbm>> -> memref<1x3136x16xf32, #tpu.memory_space<hbm>>
      %dma_wait3A_20 = tpu.memref_squeeze %dma_wait3A_19 : memref<1x3136x16xf32, #tpu.memory_space<hbm>> -> memref<3136x16xf32, #tpu.memory_space<hbm>>
      tpu.wait_dma2 semaphore(%run_scoped3A : memref<!tpu.dma_semaphore, #tpu.memory_space<semaphore_mem>>) src(%arg10 : memref<3136x16xf32, #tpu.memory_space<vmem>>) dst(%dma_wait3A_20 : memref<3136x16xf32, #tpu.memory_space<hbm>>)
      tpu.yield
    }) : () -> ()
    return
  }
}

module attributes {stable_mosaic.version = 14 : i64} {
  func.func @_tc_prep_body(%arg0: i32, %arg1: memref<2x2000x1xf32, #tpu.memory_space<vmem>>, %arg2: memref<2000x64xf32, #tpu.memory_space<vmem>>, %arg3: memref<2000x1xf32, #tpu.memory_space<vmem>>, %arg4: memref<2000x32xf32, #tpu.memory_space<vmem>>, %arg5: memref<2000x32xf32, #tpu.memory_space<vmem>>) attributes {dimension_semantics = [#tpu.dimension_semantics<arbitrary>], iteration_bounds = array<i64: 25>, scalar_prefetch = 0 : i64, scratch_operands = 0 : i64, tpu.core_type = #tpu.core_type<tc>, window_params = [{transform_indices = @transform_0, window_bounds = array<i64: 2, 2000, 1>}, {transform_indices = @transform_1, window_bounds = array<i64: 2000, 64>}, {transform_indices = @transform_2, window_bounds = array<i64: 2000, 1>}, {transform_indices = @transform_3, window_bounds = array<i64: 2000, 32>}, {transform_indices = @transform_4, window_bounds = array<i64: 2000, 32>}]} {
    %get3A = arith.constant 0 : index
    %get3A_0 = arith.constant 0 : index
    %get3A_1 = arith.constant 0 : index
    %get3A_2 = vector.load %arg1[%get3A, %get3A_0, %get3A_1] : memref<2x2000x1xf32, #tpu.memory_space<vmem>>, vector<1x2000x1xf32>
    %get3A_3 = vector.shape_cast %get3A_2 : vector<1x2000x1xf32> to vector<2000x1xf32>
    %get3A_4 = arith.constant 1 : index
    %get3A_5 = arith.constant 0 : index
    %get3A_6 = arith.constant 0 : index
    %get3A_7 = vector.load %arg1[%get3A_4, %get3A_5, %get3A_6] : memref<2x2000x1xf32, #tpu.memory_space<vmem>>, vector<1x2000x1xf32>
    %get3A_8 = vector.shape_cast %get3A_7 : vector<1x2000x1xf32> to vector<2000x1xf32>
    %add3A = arith.addf %get3A_3, %get3A_8 : vector<2000x1xf32>
    %add3A_9 = arith.constant 1.000000e+00 : f32
    %add3A_10 = vector.broadcast %add3A_9 : f32 to vector<2000x1xf32>
    %add3A_11 = arith.addf %add3A, %add3A_10 : vector<2000x1xf32>
    %rsqrt3A = math.rsqrt %add3A_11 : vector<2000x1xf32>
    %swap3A = arith.constant 0 : index
    %swap3A_12 = arith.constant 0 : index
    %swap3A_13 = vector.load %arg3[%swap3A, %swap3A_12] : memref<2000x1xf32, #tpu.memory_space<vmem>>, vector<2000x1xf32>
    tpu.vector_store %arg3[%swap3A, %swap3A_12], %rsqrt3A {strides = array<i32>} : memref<2000x1xf32, #tpu.memory_space<vmem>>, vector<2000x1xf32>,
    %get3A_14 = arith.constant 0 : index
    %get3A_15 = arith.constant 0 : index
    %get3A_16 = vector.load %arg2[%get3A_14, %get3A_15] : memref<2000x64xf32, #tpu.memory_space<vmem>>, vector<2000x64xf32>
    %mul3A = vector.broadcast %rsqrt3A : vector<2000x1xf32> to vector<2000x64xf32>
    %mul3A_17 = arith.mulf %get3A_16, %mul3A : vector<2000x64xf32>
    %slice3A = vector.extract_strided_slice %mul3A_17 {offsets = [0, 0], sizes = [2000, 32], strides = [1, 1]} : vector<2000x64xf32> to vector<2000x32xf32>
    %swap3A_18 = arith.constant 0 : index
    %swap3A_19 = arith.constant 0 : index
    %swap3A_20 = vector.load %arg4[%swap3A_18, %swap3A_19] : memref<2000x32xf32, #tpu.memory_space<vmem>>, vector<2000x32xf32>
    tpu.vector_store %arg4[%swap3A_18, %swap3A_19], %slice3A {strides = array<i32>} : memref<2000x32xf32, #tpu.memory_space<vmem>>, vector<2000x32xf32>,
    %slice3A_21 = vector.extract_strided_slice %mul3A_17 {offsets = [0, 32], sizes = [2000, 32], strides = [1, 1]} : vector<2000x64xf32> to vector<2000x32xf32>
    %swap3A_22 = arith.constant 0 : index
    %swap3A_23 = arith.constant 0 : index
    %swap3A_24 = vector.load %arg5[%swap3A_22, %swap3A_23] : memref<2000x32xf32, #tpu.memory_space<vmem>>, vector<2000x32xf32>
    tpu.vector_store %arg5[%swap3A_22, %swap3A_23], %slice3A_21 {strides = array<i32>} : memref<2000x32xf32, #tpu.memory_space<vmem>>, vector<2000x32xf32>,
    return
  }
  func.func @transform_0(%arg0: i32) -> (i32, i32, i32) {
    %c0_i32 = arith.constant 0 : i32
    %c0_i32_0 = arith.constant 0 : i32
    %c0_i32_1 = arith.constant 0 : i32
    return %c0_i32, %arg0, %c0_i32_0 : i32, i32, i32
  }
  func.func @transform_1(%arg0: i32) -> (i32, i32) {
    %c0_i32 = arith.constant 0 : i32
    %c0_i32_0 = arith.constant 0 : i32
    return %arg0, %c0_i32 : i32, i32
  }
  func.func @transform_2(%arg0: i32) -> (i32, i32) {
    %c0_i32 = arith.constant 0 : i32
    %c0_i32_0 = arith.constant 0 : i32
    return %arg0, %c0_i32 : i32, i32
  }
  func.func @transform_3(%arg0: i32) -> (i32, i32) {
    %c0_i32 = arith.constant 0 : i32
    %c0_i32_0 = arith.constant 0 : i32
    return %arg0, %c0_i32 : i32, i32
  }
  func.func @transform_4(%arg0: i32) -> (i32, i32) {
    %c0_i32 = arith.constant 0 : i32
    %c0_i32_0 = arith.constant 0 : i32
    return %arg0, %c0_i32 : i32, i32
  }
}

module attributes {stable_mosaic.version = 14 : i64} {
  func.func @_tc_mid_body(%arg0: i32, %arg1: memref<2x2000x32xf32, #tpu.memory_space<vmem>>, %arg2: memref<2000x32xf32, #tpu.memory_space<vmem>>, %arg3: memref<2000x32xf32, #tpu.memory_space<vmem>>, %arg4: memref<2000x1xf32, #tpu.memory_space<vmem>>, %arg5: memref<64x128xf32, #tpu.memory_space<vmem>>, %arg6: memref<1x128xf32, #tpu.memory_space<vmem>>, %arg7: memref<128x16xf32, #tpu.memory_space<vmem>>, %arg8: memref<2000x16xf32, #tpu.memory_space<vmem>>) attributes {dimension_semantics = [#tpu.dimension_semantics<arbitrary>], iteration_bounds = array<i64: 25>, scalar_prefetch = 0 : i64, scratch_operands = 0 : i64, tpu.core_type = #tpu.core_type<tc>, window_params = [{transform_indices = @transform_0, window_bounds = array<i64: 2, 2000, 32>}, {transform_indices = @transform_1, window_bounds = array<i64: 2000, 32>}, {transform_indices = @transform_2, window_bounds = array<i64: 2000, 32>}, {transform_indices = @transform_3, window_bounds = array<i64: 2000, 1>}, {pipeline_mode = #tpu.pipeline_mode<synchronous>, transform_indices = @transform_4, window_bounds = array<i64: 64, 128>}, {pipeline_mode = #tpu.pipeline_mode<synchronous>, transform_indices = @transform_5, window_bounds = array<i64: 1, 128>}, {pipeline_mode = #tpu.pipeline_mode<synchronous>, transform_indices = @transform_6, window_bounds = array<i64: 128, 16>}, {transform_indices = @transform_7, window_bounds = array<i64: 2000, 16>}]} {
    %get3A = arith.constant 0 : index
    %get3A_0 = arith.constant 0 : index
    %get3A_1 = vector.load %arg4[%get3A, %get3A_0] : memref<2000x1xf32, #tpu.memory_space<vmem>>, vector<2000x1xf32>
    %get3A_2 = arith.constant 0 : index
    %get3A_3 = arith.constant 0 : index
    %get3A_4 = arith.constant 0 : index
    %get3A_5 = vector.load %arg1[%get3A_2, %get3A_3, %get3A_4] : memref<2x2000x32xf32, #tpu.memory_space<vmem>>, vector<1x2000x32xf32>
    %get3A_6 = vector.shape_cast %get3A_5 : vector<1x2000x32xf32> to vector<2000x32xf32>
    %get3A_7 = arith.constant 0 : index
    %get3A_8 = arith.constant 0 : index
    %get3A_9 = vector.load %arg2[%get3A_7, %get3A_8] : memref<2000x32xf32, #tpu.memory_space<vmem>>, vector<2000x32xf32>
    %add3A = arith.addf %get3A_6, %get3A_9 : vector<2000x32xf32>
    %mul3A = vector.broadcast %get3A_1 : vector<2000x1xf32> to vector<2000x32xf32>
    %mul3A_10 = arith.mulf %mul3A, %add3A : vector<2000x32xf32>
    %get3A_11 = arith.constant 1 : index
    %get3A_12 = arith.constant 0 : index
    %get3A_13 = arith.constant 0 : index
    %get3A_14 = vector.load %arg1[%get3A_11, %get3A_12, %get3A_13] : memref<2x2000x32xf32, #tpu.memory_space<vmem>>, vector<1x2000x32xf32>
    %get3A_15 = vector.shape_cast %get3A_14 : vector<1x2000x32xf32> to vector<2000x32xf32>
    %get3A_16 = arith.constant 0 : index
    %get3A_17 = arith.constant 0 : index
    %get3A_18 = vector.load %arg3[%get3A_16, %get3A_17] : memref<2000x32xf32, #tpu.memory_space<vmem>>, vector<2000x32xf32>
    %add3A_19 = arith.addf %get3A_15, %get3A_18 : vector<2000x32xf32>
    %mul3A_20 = vector.broadcast %get3A_1 : vector<2000x1xf32> to vector<2000x32xf32>
    %mul3A_21 = arith.mulf %mul3A_20, %add3A_19 : vector<2000x32xf32>
    %concatenate3A = tpu.concatenate %mul3A_10, %mul3A_21 in 1 : vector<2000x32xf32>, vector<2000x32xf32> -> vector<2000x64xf32>
    %get3A_22 = arith.constant 0 : index
    %get3A_23 = arith.constant 0 : index
    %get3A_24 = vector.load %arg5[%get3A_22, %get3A_23] : memref<64x128xf32, #tpu.memory_space<vmem>>, vector<64x128xf32>
    %dot_general3A = arith.constant dense<0.000000e+00> : vector<2000x128xf32>
    %dot_general3A_25 = tpu.matmul %concatenate3A, %get3A_24, %dot_general3A {dimension_numbers = #tpu.dot_dimension_numbers<[1], [0], [0], [1], [0, 0, 1, 1], [], []>, transpose_lhs_hint = false} : vector<2000x64xf32>, vector<64x128xf32>, vector<2000x128xf32> -> vector<2000x128xf32>
    %get3A_26 = arith.constant 0 : index
    %get3A_27 = arith.constant 0 : index
    %get3A_28 = vector.load %arg6[%get3A_26, %get3A_27] : memref<1x128xf32, #tpu.memory_space<vmem>>, vector<1x128xf32>
    %add3A_29 = vector.broadcast %get3A_28 : vector<1x128xf32> to vector<2000x128xf32>
    %add3A_30 = arith.addf %dot_general3A_25, %add3A_29 : vector<2000x128xf32>
    %max3A = arith.constant 0.000000e+00 : f32
    %max3A_31 = vector.broadcast %max3A : f32 to vector<2000x128xf32>
    %max3A_32 = arith.maximumf %add3A_30, %max3A_31 : vector<2000x128xf32>
    %get3A_33 = arith.constant 0 : index
    %get3A_34 = arith.constant 0 : index
    %get3A_35 = vector.load %arg7[%get3A_33, %get3A_34] : memref<128x16xf32, #tpu.memory_space<vmem>>, vector<128x16xf32>
    %dot_general3A_36 = arith.constant dense<0.000000e+00> : vector<2000x16xf32>
    %dot_general3A_37 = tpu.matmul %max3A_32, %get3A_35, %dot_general3A_36 {dimension_numbers = #tpu.dot_dimension_numbers<[1], [0], [0], [1], [0, 0, 1, 1], [], []>, transpose_lhs_hint = false} : vector<2000x128xf32>, vector<128x16xf32>, vector<2000x16xf32> -> vector<2000x16xf32>
    %mul3A_38 = vector.broadcast %get3A_1 : vector<2000x1xf32> to vector<2000x16xf32>
    %mul3A_39 = arith.mulf %mul3A_38, %dot_general3A_37 : vector<2000x16xf32>
    %swap3A = arith.constant 0 : index
    %swap3A_40 = arith.constant 0 : index
    %swap3A_41 = vector.load %arg8[%swap3A, %swap3A_40] : memref<2000x16xf32, #tpu.memory_space<vmem>>, vector<2000x16xf32>
    tpu.vector_store %arg8[%swap3A, %swap3A_40], %mul3A_39 {strides = array<i32>} : memref<2000x16xf32, #tpu.memory_space<vmem>>, vector<2000x16xf32>,
    return
  }
  func.func @transform_0(%arg0: i32) -> (i32, i32, i32) {
    %c0_i32 = arith.constant 0 : i32
    %c0_i32_0 = arith.constant 0 : i32
    %c0_i32_1 = arith.constant 0 : i32
    return %c0_i32, %arg0, %c0_i32_0 : i32, i32, i32
  }
  func.func @transform_1(%arg0: i32) -> (i32, i32) {
    %c0_i32 = arith.constant 0 : i32
    %c0_i32_0 = arith.constant 0 : i32
    return %arg0, %c0_i32 : i32, i32
  }
  func.func @transform_2(%arg0: i32) -> (i32, i32) {
    %c0_i32 = arith.constant 0 : i32
    %c0_i32_0 = arith.constant 0 : i32
    return %arg0, %c0_i32 : i32, i32
  }
  func.func @transform_3(%arg0: i32) -> (i32, i32) {
    %c0_i32 = arith.constant 0 : i32
    %c0_i32_0 = arith.constant 0 : i32
    return %arg0, %c0_i32 : i32, i32
  }
  func.func @transform_4(%arg0: i32) -> (i32, i32) {
    %c0_i32 = arith.constant 0 : i32
    %c0_i32_0 = arith.constant 0 : i32
    %c0_i32_1 = arith.constant 0 : i32
    return %c0_i32, %c0_i32_0 : i32, i32
  }
  func.func @transform_5(%arg0: i32) -> (i32, i32) {
    %c0_i32 = arith.constant 0 : i32
    %c0_i32_0 = arith.constant 0 : i32
    %c0_i32_1 = arith.constant 0 : i32
    return %c0_i32, %c0_i32_0 : i32, i32
  }
  func.func @transform_6(%arg0: i32) -> (i32, i32) {
    %c0_i32 = arith.constant 0 : i32
    %c0_i32_0 = arith.constant 0 : i32
    %c0_i32_1 = arith.constant 0 : i32
    return %c0_i32, %c0_i32_0 : i32, i32
  }
  func.func @transform_7(%arg0: i32) -> (i32, i32) {
    %c0_i32 = arith.constant 0 : i32
    %c0_i32_0 = arith.constant 0 : i32
    return %arg0, %c0_i32 : i32, i32
  }
}

module attributes {stable_mosaic.version = 14 : i64} {
  func.func @_tc_final_body(%arg0: i32, %arg1: memref<2x2000x16xf32, #tpu.memory_space<vmem>>, %arg2: memref<2000x16xf32, #tpu.memory_space<vmem>>, %arg3: memref<2000x1xf32, #tpu.memory_space<vmem>>, %arg4: memref<1x16xf32, #tpu.memory_space<vmem>>, %arg5: memref<1x16xf32, #tpu.memory_space<vmem>>, %arg6: memref<1x1xf32, #tpu.memory_space<vmem>>) attributes {dimension_semantics = [#tpu.dimension_semantics<arbitrary>], iteration_bounds = array<i64: 25>, scalar_prefetch = 0 : i64, scratch_operands = 0 : i64, tpu.core_type = #tpu.core_type<tc>, window_params = [{transform_indices = @transform_0, window_bounds = array<i64: 2, 2000, 16>}, {transform_indices = @transform_1, window_bounds = array<i64: 2000, 16>}, {transform_indices = @transform_2, window_bounds = array<i64: 2000, 1>}, {pipeline_mode = #tpu.pipeline_mode<synchronous>, transform_indices = @transform_3, window_bounds = array<i64: 1, 16>}, {pipeline_mode = #tpu.pipeline_mode<synchronous>, transform_indices = @transform_4, window_bounds = array<i64: 1, 16>}, {pipeline_mode = #tpu.pipeline_mode<synchronous>, transform_indices = @transform_5, window_bounds = array<i64: 1, 1>}]} {
    %get3A = arith.constant 0 : index
    %get3A_0 = arith.constant 0 : index
    %get3A_1 = vector.load %arg3[%get3A, %get3A_0] : memref<2000x1xf32, #tpu.memory_space<vmem>>, vector<2000x1xf32>
    %get3A_2 = arith.constant 0 : index
    %get3A_3 = arith.constant 0 : index
    %get3A_4 = arith.constant 0 : index
    %get3A_5 = vector.load %arg1[%get3A_2, %get3A_3, %get3A_4] : memref<2x2000x16xf32, #tpu.memory_space<vmem>>, vector<1x2000x16xf32>
    %get3A_6 = vector.shape_cast %get3A_5 : vector<1x2000x16xf32> to vector<2000x16xf32>
    %get3A_7 = arith.constant 1 : index
    %get3A_8 = arith.constant 0 : index
    %get3A_9 = arith.constant 0 : index
    %get3A_10 = vector.load %arg1[%get3A_7, %get3A_8, %get3A_9] : memref<2x2000x16xf32, #tpu.memory_space<vmem>>, vector<1x2000x16xf32>
    %get3A_11 = vector.shape_cast %get3A_10 : vector<1x2000x16xf32> to vector<2000x16xf32>
    %add3A = arith.addf %get3A_6, %get3A_11 : vector<2000x16xf32>
    %get3A_12 = arith.constant 0 : index
    %get3A_13 = arith.constant 0 : index
    %get3A_14 = vector.load %arg2[%get3A_12, %get3A_13] : memref<2000x16xf32, #tpu.memory_space<vmem>>, vector<2000x16xf32>
    %add3A_15 = arith.addf %add3A, %get3A_14 : vector<2000x16xf32>
    %mul3A = vector.broadcast %get3A_1 : vector<2000x1xf32> to vector<2000x16xf32>
    %mul3A_16 = arith.mulf %mul3A, %add3A_15 : vector<2000x16xf32>
    %get3A_17 = arith.constant 0 : index
    %get3A_18 = arith.constant 0 : index
    %get3A_19 = vector.load %arg4[%get3A_17, %get3A_18] : memref<1x16xf32, #tpu.memory_space<vmem>>, vector<1x16xf32>
    %add3A_20 = vector.broadcast %get3A_19 : vector<1x16xf32> to vector<2000x16xf32>
    %add3A_21 = arith.addf %mul3A_16, %add3A_20 : vector<2000x16xf32>
    %slice3A = vector.extract_strided_slice %add3A_21 {offsets = [0, 0], sizes = [2000, 10], strides = [1, 1]} : vector<2000x16xf32> to vector<2000x10xf32>
    %reduce_max3A = arith.constant dense<0xFF800000> : vector<2000xf32>
    %reduce_max3A_22 = vector.multi_reduction <maximumf>, %slice3A, %reduce_max3A [1] : vector<2000x10xf32> to vector<2000xf32>
    %broadcast_in_dim3A = vector.shape_cast %reduce_max3A_22 : vector<2000xf32> to vector<2000x1xf32>
    %sub3A = vector.broadcast %broadcast_in_dim3A : vector<2000x1xf32> to vector<2000x10xf32>
    %sub3A_23 = arith.subf %slice3A, %sub3A : vector<2000x10xf32>
    %exp3A = math.exp %sub3A_23 : vector<2000x10xf32>
    %reduce_sum3A = arith.constant dense<0.000000e+00> : vector<2000xf32>
    %reduce_sum3A_24 = vector.multi_reduction <add>, %exp3A, %reduce_sum3A [1] : vector<2000x10xf32> to vector<2000xf32>
    %broadcast_in_dim3A_25 = vector.shape_cast %reduce_sum3A_24 : vector<2000xf32> to vector<2000x1xf32>
    %log3A = math.log %broadcast_in_dim3A_25 : vector<2000x1xf32>
    %add3A_26 = arith.addf %log3A, %broadcast_in_dim3A : vector<2000x1xf32>
    %reduce_sum3A_27 = arith.constant dense<0.000000e+00> : vector<16xf32>
    %reduce_sum3A_28 = vector.multi_reduction <add>, %add3A_21, %reduce_sum3A_27 [0] : vector<2000x16xf32> to vector<16xf32>
    %broadcast_in_dim3A_29 = vector.shape_cast %reduce_sum3A_28 : vector<16xf32> to vector<1x16xf32>
    %reduce_sum3A_30 = vector.shape_cast %add3A_26 : vector<2000x1xf32> to vector<1x2000x1xf32>
    %reduce_sum3A_31 = arith.constant dense<0.000000e+00> : vector<1xf32>
    %reduce_sum3A_32 = vector.multi_reduction <add>, %reduce_sum3A_30, %reduce_sum3A_31 [1, 2] : vector<1x2000x1xf32> to vector<1xf32>
    %reduce_sum3A_33 = vector.shape_cast %reduce_sum3A_32 : vector<1xf32> to vector<1x1x1xf32>
    %reduce_sum3A_34 = vector.extract %reduce_sum3A_33[0, 0, 0] : f32 from vector<1x1x1xf32>
    %reshape3A = vector.broadcast %reduce_sum3A_34 : f32 to vector<1x1xf32>
    %eq3A = arith.constant 0 : i32
    %eq3A_35 = arith.cmpi eq, %arg0, %eq3A : i32
    %convert_element_type3A = arith.extui %eq3A_35 : i1 to i32
    %cond3A = arith.constant 0 : i32
    %cond3A_36 = arith.cmpi ne, %convert_element_type3A, %cond3A : i32
    scf.if %cond3A_36 {
      %swap3A = arith.constant 0 : index
      %swap3A_41 = arith.constant 0 : index
      %swap3A_42 = vector.load %arg5[%swap3A, %swap3A_41] : memref<1x16xf32, #tpu.memory_space<vmem>>, vector<1x16xf32>
      tpu.vector_store %arg5[%swap3A, %swap3A_41], %broadcast_in_dim3A_29 {strides = array<i32>} : memref<1x16xf32, #tpu.memory_space<vmem>>, vector<1x16xf32>,
      %swap3A_43 = arith.constant 0 : index
      %swap3A_44 = arith.constant 0 : index
      %swap3A_45 = vector.load %arg6[%swap3A_43, %swap3A_44] : memref<1x1xf32, #tpu.memory_space<vmem>>, vector<1x1xf32>
      tpu.vector_store %arg6[%swap3A_43, %swap3A_44], %reshape3A {strides = array<i32>} : memref<1x1xf32, #tpu.memory_space<vmem>>, vector<1x1xf32>,
    } else {
    }
    %ne3A = arith.constant 0 : i32
    %ne3A_37 = arith.cmpi ne, %arg0, %ne3A : i32
    %convert_element_type3A_38 = arith.extui %ne3A_37 : i1 to i32
    %cond3A_39 = arith.constant 0 : i32
    %cond3A_40 = arith.cmpi ne, %convert_element_type3A_38, %cond3A_39 : i32
    scf.if %cond3A_40 {
      %get3A_41 = arith.constant 0 : index
      %get3A_42 = arith.constant 0 : index
      %get3A_43 = vector.load %arg5[%get3A_41, %get3A_42] : memref<1x16xf32, #tpu.memory_space<vmem>>, vector<1x16xf32>
      %add3A_44 = arith.addf %get3A_43, %broadcast_in_dim3A_29 : vector<1x16xf32>
      %swap3A = arith.constant 0 : index
      %swap3A_45 = arith.constant 0 : index
      %swap3A_46 = vector.load %arg5[%swap3A, %swap3A_45] : memref<1x16xf32, #tpu.memory_space<vmem>>, vector<1x16xf32>
      tpu.vector_store %arg5[%swap3A, %swap3A_45], %add3A_44 {strides = array<i32>} : memref<1x16xf32, #tpu.memory_space<vmem>>, vector<1x16xf32>,
      %get3A_47 = arith.constant 0 : index
      %get3A_48 = arith.constant 0 : index
      %get3A_49 = vector.load %arg6[%get3A_47, %get3A_48] : memref<1x1xf32, #tpu.memory_space<vmem>>, vector<1x1xf32>
      %add3A_50 = arith.addf %get3A_49, %reshape3A : vector<1x1xf32>
      %swap3A_51 = arith.constant 0 : index
      %swap3A_52 = arith.constant 0 : index
      %swap3A_53 = vector.load %arg6[%swap3A_51, %swap3A_52] : memref<1x1xf32, #tpu.memory_space<vmem>>, vector<1x1xf32>
      tpu.vector_store %arg6[%swap3A_51, %swap3A_52], %add3A_50 {strides = array<i32>} : memref<1x1xf32, #tpu.memory_space<vmem>>, vector<1x1xf32>,
    } else {
    }
    return
  }
  func.func @transform_0(%arg0: i32) -> (i32, i32, i32) {
    %c0_i32 = arith.constant 0 : i32
    %c0_i32_0 = arith.constant 0 : i32
    %c0_i32_1 = arith.constant 0 : i32
    return %c0_i32, %arg0, %c0_i32_0 : i32, i32, i32
  }
  func.func @transform_1(%arg0: i32) -> (i32, i32) {
    %c0_i32 = arith.constant 0 : i32
    %c0_i32_0 = arith.constant 0 : i32
    return %arg0, %c0_i32 : i32, i32
  }
  func.func @transform_2(%arg0: i32) -> (i32, i32) {
    %c0_i32 = arith.constant 0 : i32
    %c0_i32_0 = arith.constant 0 : i32
    return %arg0, %c0_i32 : i32, i32
  }
  func.func @transform_3(%arg0: i32) -> (i32, i32) {
    %c0_i32 = arith.constant 0 : i32
    %c0_i32_0 = arith.constant 0 : i32
    %c0_i32_1 = arith.constant 0 : i32
    return %c0_i32, %c0_i32_0 : i32, i32
  }
  func.func @transform_4(%arg0: i32) -> (i32, i32) {
    %c0_i32 = arith.constant 0 : i32
    %c0_i32_0 = arith.constant 0 : i32
    %c0_i32_1 = arith.constant 0 : i32
    return %c0_i32, %c0_i32_0 : i32, i32
  }
  func.func @transform_5(%arg0: i32) -> (i32, i32) {
    %c0_i32 = arith.constant 0 : i32
    %c0_i32_0 = arith.constant 0 : i32
    %c0_i32_1 = arith.constant 0 : i32
    return %c0_i32, %c0_i32_0 : i32, i32
  }
}

</mosaic_0001>

<sc_bundles>
// kernel: kernel.11.cloned.1.call-start
scs
__scs_entry_jumppad:
0x0: {  	(pc) =	sbr.rel $0x88, $3  }
0x1: {  	(tag) =	ssettag $0x0;
	lr =	simm.s32 $0x1  }
0x2: {  	[smem:$0x3F9B] =	sst lr;
	_ =	strace $0xD0000000  }
0x3: {  	_ = 	snop  }
0x4: {  	_ = 	snop  }
0x5: {  	_ = 	snop  }
0x6: {  	_ = 	snop  }
0x7: {  	_ = 	snop  }
__scs_overlays_trampoline_lowered:
0x8: {  	[smem:$0x3FAA] =	sst s0  }
0x9: {  	[smem:$0x3FAB] =	sst s1  }
0xa: {  	[smem:$0x3FAC] =	sst s2  }
0xb: {  	[smem:$0x3FAD] =	sst s3  }
0xc: {  	[smem:$0x3FAE] =	sst s4  }
0xd: {  	[smem:$0x3FAF] =	sst s5  }
0xe: {  	[smem:$0x3FB0] =	sst s6  }
0xf: {  	[smem:$0x3FB1] =	sst s7  }
0x10: {  	[smem:$0x3FB2] =	sst s8  }
0x11: {  	[smem:$0x3FB3] =	sst s9;
	s0 =	simm.s32 @!p0 $0x0  }
0x12: {  	s1 =	sld [smem:$0x3F99];
	s0 =	simm.s32 @p0 $0x1  }
0x13: {  	[smem:$0x3FB4] =	sst s0;
	s0 =	simm.s32 @!p1 $0x0  }
0x14: {  	s2 =	sld [smem:$0x3F98];
	s0 =	simm.s32 @p1 $0x1  }
0x15: {  	[smem:$0x3FB5] =	sst s0;
	s0 =	simm.s32 @!p2 $0x0  }
0x16: {  	s3 =	sld [smem:$0x3FDB];
	s0 =	simm.s32 @p2 $0x1  }
0x17: {  	s4 =	simm.s32 $0x1BF5;
	[smem:$0x3FB7] =	sst s0  }
0x18: {  	s0 =	sld [smem:$0x3F9A];
	_ =	swait.ge [sflag:s4], $0x0  }
0x19: {  	s7 =	sld [smem:$0x3F9B]  }
0x1a: {  	s8 =	sadd.s32 $0xFFFFE003, lr  }
0x1b: {  	s9 =	sadd.s32 $0xFFFFFEF7, lr;
	s5 =	simm.s32 $0xFFFFFFFF;
	p2 =	slt.u32 s8, $0xFFFFF086  }
0x1c: {  	p1 =	slt.u32 s9, $0xF7A;
	s5 =	simm.s32 @!p2 $0x0  }
0x1d: {  	s5 =	simm.s32 @p1 $0x1;
	p0 =	seq.s32 s7, s2  }
0x1e: {  	s7 =	smul.u32 @!p0 $0xF7A, s2;
	p2 =	seq.s32 @!p0 s5, $0x0  }
0x1f: {  	s9 =	smul.u32 $0xF7A, s1;
	s8 =	simm.s32 @!p0 $0x1BF5;
	p2 =	por !p2, p0  }
0x20: {  	[sflag:s8] =	ssyncset.s32 @!p0 $0xFFFFF086;
	s6 =	sadd.s32 @!p0 s3, s7;
	s7 =	simm.s32 @!p0 $0x108  }
0x21: {  	s3 =	sadd.s32 s3, s9;
	s6 =	sadd.s32 @!p0 $0x88, s6;
	s7 =	simm.s32 @p2 $0x1082  }
0x22: {  	[simem:s7], [sflag:s8] =	dma.local @!p0 [hbm:s6], $0xF7A  }
0x23: {  	s9 =	sor.u32 $0xD0000000, s2;
	s6 =	simm.s32 $0x108;
	_ =	swait.ge @!p0 [sflag:s8], $0x0  }
0x24: {  	s3 =	sadd.s32 $0x88, s3;
	s6 =	simm.s32 @!p1 $0x1082;
	[sflag:s4] =	ssyncset.s32 $0xFFFFF086  }
0x25: {  	[simem:s6], [sflag:s4] =	dma.local [hbm:s3], $0xF7A  }
0x26: {  	[smem:$0x3F9B] =	sst s1;
	(tag) =	ssettag s2;
	_ =	strace s9  }
0x27: {  	s1 =	sld [smem:$0x3FAB]  }
0x28: {  	s2 =	sld [smem:$0x3FAC]  }
0x29: {  	s4 =	sld [smem:$0x3FAE]  }
0x2a: {  	p0 =	seq.s32 s5, $0x0;
	s5 =	sld [smem:$0x3FAF]  }
0x2b: {  	s6 =	sld [smem:$0x3FB0]  }
0x2c: {  	s7 =	sld [smem:$0x3FB1]  }
0x2d: {  	s3 =	simm.s32 $0x108;
	s8 =	sld [smem:$0x3FB2]  }
0x2e: {  	s3 =	simm.s32 @!p0 $0x1082;
	s9 =	sld [smem:$0x3FB3]  }
0x2f: {  	lr =	sadd.s32 s0, s3;
	s0 =	sld [smem:$0x3FAA]  }
0x30: {  	s3 =	sld [smem:$0x3FAD]  }
0x31: {  	[smem:$0x3FB6] =	sst s10  }
0x32: {  	s10 =	sld [smem:$0x3FB4];
	_ =	sdelay $0x3  }
0x33: {  	p0 =	seq.s32 s10, $0x1;
	s10 =	sld [smem:$0x3FB6];
	_ =	sdelay $0x3  }
0x34: {  	[smem:$0x3FB6] =	sst s10  }
0x35: {  	s10 =	sld [smem:$0x3FB5];
	_ =	sdelay $0x3  }
0x36: {  	p1 =	seq.s32 s10, $0x1;
	s10 =	sld [smem:$0x3FB6];
	_ =	sdelay $0x3  }
0x37: {  	[smem:$0x3FB6] =	sst s10  }
0x38: {  	s10 =	sld [smem:$0x3FB7]  }
0x39: {  	_ = 	snop;
	(pc) =	sbr.ind lr, $3  }
0x3a: {  	_ = 	snop  }
0x3b: {  	_ = 	snop  }
0x3c: {  	p2 =	seq.s32 s10, $0x1;
	s10 =	sld [smem:$0x3FB6]  }
0x3d: {  	_ =	shalt  }
0x3e: {  	_ =	shalt  }
0x3f: {  	_ =	shalt  }
0x40: {  	_ =	shalt  }
0x41: {  	_ =	shalt  }
0x42: {  	_ =	shalt  }
0x43: {  	_ =	shalt  }
0x44: {  	_ =	shalt  }
0x45: {  	_ =	shalt  }
0x46: {  	_ =	shalt  }
0x47: {  	_ =	shalt  }
0x48: {  	_ =	shalt  }
0x49: {  	_ =	shalt  }
0x4a: {  	_ =	shalt  }
0x4b: {  	_ =	shalt  }
0x4c: {  	_ =	shalt  }
0x4d: {  	_ =	shalt  }
0x4e: {  	_ =	shalt  }
0x4f: {  	_ =	shalt  }
0x50: {  	_ =	shalt  }
0x51: {  	_ =	shalt  }
0x52: {  	_ =	shalt  }
0x53: {  	_ =	shalt  }
0x54: {  	_ =	shalt  }
0x55: {  	_ =	shalt  }
0x56: {  	_ =	shalt  }
0x57: {  	_ =	shalt  }
0x58: {  	_ =	shalt  }
0x59: {  	_ =	shalt  }
0x5a: {  	_ =	shalt  }
0x5b: {  	_ =	shalt  }
0x5c: {  	_ =	shalt  }
0x5d: {  	_ =	shalt  }
0x5e: {  	_ =	shalt  }
0x5f: {  	_ =	shalt  }
0x60: {  	_ =	shalt  }
0x61: {  	_ =	shalt  }
0x62: {  	_ =	shalt  }
0x63: {  	_ =	shalt  }
0x64: {  	_ =	shalt  }
0x65: {  	_ =	shalt  }
0x66: {  	_ =	shalt  }
0x67: {  	_ =	shalt  }
0x68: {  	_ =	shalt  }
0x69: {  	_ =	shalt  }
0x6a: {  	_ =	shalt  }
0x6b: {  	_ =	shalt  }
0x6c: {  	_ =	shalt  }
0x6d: {  	_ =	shalt  }
0x6e: {  	_ =	shalt  }
0x6f: {  	_ =	shalt  }
0x70: {  	_ =	shalt  }
0x71: {  	_ =	shalt  }
0x72: {  	_ =	shalt  }
0x73: {  	_ =	shalt  }
0x74: {  	_ =	shalt  }
0x75: {  	_ =	shalt  }
0x76: {  	_ =	shalt  }
0x77: {  	_ =	shalt  }
0x78: {  	_ =	shalt  }
0x79: {  	_ =	shalt  }
0x7a: {  	_ =	shalt  }
0x7b: {  	_ =	shalt  }
0x7c: {  	_ =	shalt  }
0x7d: {  	_ =	shalt  }
0x7e: {  	_ =	shalt  }
0x7f: {  	_ =	shalt  }
0x80: {  	_ =	shalt  }
0x81: {  	_ =	shalt  }
0x82: {  	_ =	shalt  }
0x83: {  	_ =	shalt  }
0x84: {  	_ =	shalt  }
0x85: {  	_ =	shalt  }
0x86: {  	_ =	shalt  }
0x87: {  	_ =	shalt  }
.Lfunc_end0:
.L_simem_size_0:
called_computation.1_lowered:
.L_overlay_start_0:
0x88: {  	s2 =	sld [smem:$0x3FD9]  }
0x89: {  	s3 =	sld [smem:$0x3FFE];
	_ =	sdelay $0x1  }
0x8a: {  	s1 =	srdreg.scid  }
0x8b: {  	s0 =	sand.u32 $0x1, s1  }
0x8c: {  	s16 =	sshll.u32 s0, $0xA;
	s2 =	sadd.s32 s3, s2  }
0x8d: {  	s2 =	sadd.s32 s2, s16  }
0x8e: {  	[smem:$0x3FC2] =	sst s2  }
0x8f: {  	_ = 	snop  }
0x90: {  	(tm) =	ssettm $0x1  }
0x91: {  	s17 =	sld [smem:$0x3FFB];
	_ =	sdelay $0x3  }
0x92: {  	_ =	strace s17  }
0x93: {  	s2 =	sld [smem:$0x3FFC];
	_ =	sdelay $0x3  }
0x94: {  	_ =	strace s2  }
0x95: {  	s2 =	sld [smem:$0x3FFD];
	_ =	sdelay $0x3  }
0x96: {  	_ =	strace s2  }
0x97: {  	_ =	strace $0x8FFFFFFF  }
0x98: {  	s18 =	sld [smem:$0x3FDB];
	_ =	sdelay $0x1  }
0x99: {  	s19 =	simm.s32 $_scs_section_size  }
0x9a: {  	s4 =	simm.s32 $_size__tile_overlayer_lowered;
	s5 =	simm.s32 $_tile_overlayer_lowered  }
0x9b: {  	s22 =	simm.s32 $0x1BFF;
	s21 =	sshll.u32 s5, $0x1;
	s2 =	sadd.s32 s19, s18  }
0x9c: {  	s6 =	simm.s32 $0x0;
	s20 =	sshll.u32 s4, $0x1;
	s4 =	sadd.s32 s21, s2  }
0x9d: {  	[timem:s6], [sflag:s22] =	dma.local [hbm:s4], s20  }
0x9e: {  	_ =	swait.ge [sflag:s22], s20  }
0x9f: {  	s3 =	ssub.s32 $0x0, s20;
	[sflag:s22] =	ssyncset.done $0x0  }
0xa0: {  	[sflag:s22] =	ssyncadd.s32 s3;
	_ =	sdelay $0x1  }
0xa1: {  	s23 =	simm.s32 $0x1B8B  }
0xa2: {  	_ =	swait.ge [sflag:s23], $0x1  }
0xa3: {  	[sflag:s23] =	ssyncset.done $0x0  }
0xa4: {  	s25 =	simm.s32 $0x1B8E;
	s24 =	sld [smem:$0x3FFE];
	[sflag:s23] =	ssyncadd.s32 $0xFFFFFFFF  }
0xa5: {  	s26 =	simm.s32 $execute0_lowered;
	[smem:$0x3FD2] =	sst s25  }
0xa6: {  	s4 =	sshll.u32 s26, $0x1;
	_ =	strace $0x80000049;
	[dreg:$0x1] =	wrdreg $0xFFFFFFFF  }
0xa7: {  	s28 =	simm.s32 $_size_execute0_lowered;
	s2 =	sadd.s32 s2, s4;
	[dreg:$0x0] =	wrdreg $0x0  }
0xa8: {  	s4 =	sshll.u32 s28, $0x1;
	[dreg:$0x2] =	wrdreg s2  }
0xa9: {  	[dreg:$0x3] =	wrdreg s4  }
0xaa: {  	[dreg:$0x4] =	wrdreg $0xC0  }
0xab: {  	_ =	task [dreg:s6], $0x5FFFF  }
0xac: {  	[dreg:$0x1] =	wrdreg $0xFFFFFFFF  }
0xad: {  	[dreg:$0x0] =	wrdreg $0x60  }
0xae: {  	[dreg:$0x2] =	wrdreg s24  }
0xaf: {  	[dreg:$0x3] =	wrdreg $0x42000  }
0xb0: {  	[dreg:$0x4] =	wrdreg $0x9  }
0xb1: {  	_ =	task.clear_ibuf [dreg:s6], $0x5FFFF;
	_ =	strace $0x90000049  }
0xb2: {  	s29 =	simm.s32 $0x9;
	_ =	strace $0x8000004B  }
0xb3: {  	_ =	swait.ge [sflag:s29], $0x1  }
0xb4: {  	[sflag:s29] =	ssyncadd.s32 $0xFFFFFFFF  }
0xb5: {  	_ =	strace $0x9000004B  }
0xb6: {  	_ =	sfence  }
0xb7: {  	s30 =	sld [smem:$0x0];
	_ =	sdelay $0x2  }
0xb8: {  	s31 =	sshll.u32 s1, $0xD;
	s1 =	sshrl.u32 s1, $0x2  }
0xb9: {  	s3 =	sand.u32 $0x4000, s31;
	s1 =	sadd.s32 s1, s30  }
0xba: {  	s0 =	sor.u32 s3, s0;
	s1 =	sshll.u32 s1, $0x11  }
0xbb: {  	s0 =	sor.u32 s1, s0  }
0xbc: {  	s0 =	sadd.s32 $0x8F2B, s0  }
0xbd: {  	[sflag:s0] =	ssyncadd.remote.s32 $0x1  }
0xbe: {  	_ =	sfence.sel $0xFFFF  }
0xbf: {  	[dreg:$0x0] =	wrdreg $0xFFFFFFFF;
	(pc) =	sbr.abs _section_cstart, $3  }
0xc0: {  	[dreg:$0x1] =	wrdreg $0xFFFFFFFF  }
0xc1: {  	_ =	task.clear_ibuf [dreg:s6], $0x2FFFF;
	_ =	strace $0x9FFFFFFF  }
0xc2: {  	(tm) =	ssettm $0x7FFFFFFF  }
0xc3: {  	_ =	shalt  }
tec
execute0_lowered:
.L_overlay_start_1:
0x0: {  	(tag) =	ssettag $0x1  }
0x1: {  	s1 =	srdreg.scid  }
0x2: {  	s0 =	rddreg [dreg:$0x0];
	s10 =	stileid.u32  }
0x3: {  	s4 =	sand.u32 $0x1, s1;
	s1 =	simm.s32 $0x0;
	s3 =	smul.u32 $0x18800, s10  }
0x4: {  	s5 =	sadd.s32 $0x7C600, s0;
	s7 =	sadd.s32 $0xFB400, s0;
	s2 =	ssub.s32 $0x2, s4  }
0x5: {  	[smem:$0x7FF] =	sst s1;
	s16 =	smul.u32 $0x188000, s4;
	p0 =	seq.s32 s4, $0x1  }
0x6: {  	s6 =	sshrl.u32 s2, $0x1;
	s8 =	sshrl.u32 s3, $0x3;
	s17 =	sadd.s32 $0x6200, s3  }
0x7: {  	s24 =	sadd.s32 $0x9300, s3;
	s25 =	sadd.s32 $0xC400, s3;
	s26 =	sadd.s32 $0xF500, s3  }
0x8: {  	s28 =	sadd.s32 $0x12600, s3;
	s29 =	sadd.s32 $0x15700, s3;
	s2 =	ssub.s32 s2, s6  }
0x9: {  	s6 =	sadd.s32 $0x3100, s3;
	s8 =	sadd.s32 s5, s8;
	s21 =	sshrl.u32 s17, $0x3  }
0xa: {  	s22 =	sshrl.u32 s24, $0x3;
	s23 =	sshrl.u32 s25, $0x3;
	s12 =	sshrl.u32 s26, $0x3  }
0xb: {  	s13 =	sshrl.u32 s28, $0x3;
	s14 =	sshrl.u32 s29, $0x3;
	s15 =	sadd.s32 s3, s16  }
0xc: {  	s9 =	sshrl.u32 s6, $0x3;
	[dreg:$0x3] =	wrdreg s8;
	s8 =	sadd.s32 s5, s21  }
0xd: {  	s11 =	sadd.s32 s5, s23;
	s18 =	sshrl.u32 s15, $0x3;
	s19 =	sadd.s32 s16, s6  }
0xe: {  	s21 =	sadd.s32 s16, s17;
	s23 =	sadd.s32 s16, s24;
	s15 =	sadd.s32 s16, s26  }
0xf: {  	s30 =	smax.u32 s2, $0x1;
	s2 =	simm.s32 $0x1;
	[dreg:$0x5] =	wrdreg s8  }
0x10: {  	s20 =	sadd.s32 s5, s9;
	s8 =	sadd.s32 s5, s22;
	[dreg:$0x7] =	wrdreg s11  }
0x11: {  	s4 =	sadd.s32 s7, s18;
	s22 =	sshrl.u32 s21, $0x3;
	[dreg:$0x4] =	wrdreg s20  }
0x12: {  	s9 =	sadd.s32 s16, s25;
	s18 =	sshrl.u32 s15, $0x3;
	[dreg:$0x6] =	wrdreg s8  }
0x13: {  	s21 =	sadd.s32 s16, s29;
	s8 =	sadd.s32 s5, s12;
	[dreg:$0xb] =	wrdreg s4  }
0x14: {  	s20 =	sshrl.u32 s19, $0x3;
	s12 =	sadd.s32 s7, s22;
	s19 =	sadd.s32 s16, s28  }
0x15: {  	s15 =	sadd.s32 s7, s18;
	s22 =	sshrl.u32 s21, $0x3;
	s4 =	simm.s32 $0x4B800  }
0x16: {  	[dreg:$0x8] =	wrdreg s8;
	s8 =	sadd.s32 s5, s13;
	s5 =	sadd.s32 s5, s14  }
0x17: {  	s11 =	sadd.s32 s7, s20;
	s20 =	sshrl.u32 s19, $0x3;
	s19 =	rddreg [dreg:$0x1]  }
0x18: {  	s14 =	sshrl.u32 s9, $0x3;
	s18 =	sadd.s32 s7, s22;
	[dreg:$0x9] =	wrdreg s8  }
0x19: {  	s4 =	simm.s32 @!p0 $0x1AA00;
	[dreg:$0xa] =	wrdreg s5;
	s8 =	sshrl.u32 s23, $0x3  }
0x1a: {  	s14 =	sadd.s32 s7, s14;
	s16 =	sadd.s32 s7, s20;
	s23 =	smul.u32 $0x1880, s10  }
0x1b: {  	s20 =	sadd.s32 s4, s0;
	s21 =	sadd.s32 s3, s19;
	s22 =	sadd.s32 s6, s19  }
0x1c: {  	s24 =	sadd.s32 s24, s19;
	s25 =	sadd.s32 s25, s19;
	s26 =	sadd.s32 s26, s19  }
0x1d: {  	s28 =	sadd.s32 s28, s19;
	s29 =	sadd.s32 s29, s19;
	s3 =	simm.s32 $0x80  }
0x1e: {  	s4 =	simm.s32 $0x100;
	s13 =	sadd.s32 s7, s8;
	_ =	strace $0x8000004A  }
0x1f: {  	s5 =	sadd.s32 s23, s0;
	s23 =	sadd.s32 s17, s19;
	s0 =	simm.s32 $0x1100  }
0x20: {  	s31 =	sadd.s32 $0x2200, s5;
	s17 =	sadd.s32 $0xE2C00, s5;
	s5 =	simm.s32 $0x0  }
.LBB2_1:
0x21: {  	s6 =	rddreg [dreg:$0x3]  }
0x22: {  	[tilespmem:s0], [sflag:$0x1] =	stream.linear.gather [hbm4b:s6+s1], $0x3100, $0x38;
	[tilespmem:$0x1CA00] =	vst v63  }
0x23: {  	_ =	swait.ge [sflag:s2], $0x3100  }
0x24: {  	[sflag:s2] =	ssyncset.done $0x0  }
0x25: {  	[sflag:s2] =	ssyncadd.s32 $0xFFFFCF00  }
0x26: {  	[spmem:s21] =	stream.linear.scatter [tilespmem:s0], [sflag:$0x1], $0x3100, $0x38;
	[tilespmem:$0x1CA00] =	vst v63  }
0x27: {  	_ =	swait.ge [sflag:s2], $0x3100  }
0x28: {  	[sflag:s2] =	ssyncset.done $0x0  }
0x29: {  	s10 =	rddreg [dreg:$0x4];
	[sflag:s2] =	ssyncadd.s32 $0xFFFFCF00  }
0x2a: {  	[tilespmem:s0], [sflag:$0x1] =	stream.linear.gather [hbm4b:s10+s1], $0x3100, $0x38;
	[tilespmem:$0x1CA00] =	vst v63  }
0x2b: {  	_ =	swait.ge [sflag:s2], $0x3100  }
0x2c: {  	[sflag:s2] =	ssyncset.done $0x0  }
0x2d: {  	[sflag:s2] =	ssyncadd.s32 $0xFFFFCF00  }
0x2e: {  	[spmem:s22] =	stream.linear.scatter [tilespmem:s0], [sflag:$0x1], $0x3100, $0x38;
	[tilespmem:$0x1CA00] =	vst v63  }
0x2f: {  	_ =	swait.ge [sflag:s2], $0x3100  }
0x30: {  	[sflag:s2] =	ssyncset.done $0x0  }
0x31: {  	s7 =	rddreg [dreg:$0x5];
	[sflag:s2] =	ssyncadd.s32 $0xFFFFCF00  }
0x32: {  	[tilespmem:s0], [sflag:$0x1] =	stream.linear.gather [hbm4b:s7+s1], $0x3100, $0x38;
	[tilespmem:$0x1CA00] =	vst v63  }
0x33: {  	_ =	swait.ge [sflag:s2], $0x3100  }
0x34: {  	[sflag:s2] =	ssyncset.done $0x0  }
0x35: {  	[sflag:s2] =	ssyncadd.s32 $0xFFFFCF00  }
0x36: {  	[spmem:s23] =	stream.linear.scatter [tilespmem:s0], [sflag:$0x1], $0x3100, $0x38;
	[tilespmem:$0x1CA00] =	vst v63  }
0x37: {  	_ =	swait.ge [sflag:s2], $0x3100  }
0x38: {  	[sflag:s2] =	ssyncset.done $0x0  }
0x39: {  	s8 =	rddreg [dreg:$0x6];
	[sflag:s2] =	ssyncadd.s32 $0xFFFFCF00  }
0x3a: {  	[tilespmem:s0], [sflag:$0x1] =	stream.linear.gather [hbm4b:s8+s1], $0x3100, $0x38;
	[tilespmem:$0x1CA00] =	vst v63  }
0x3b: {  	_ =	swait.ge [sflag:s2], $0x3100  }
0x3c: {  	[sflag:s2] =	ssyncset.done $0x0  }
0x3d: {  	[sflag:s2] =	ssyncadd.s32 $0xFFFFCF00  }
0x3e: {  	[spmem:s24] =	stream.linear.scatter [tilespmem:s0], [sflag:$0x1], $0x3100, $0x38;
	[tilespmem:$0x1CA00] =	vst v63  }
0x3f: {  	_ =	swait.ge [sflag:s2], $0x3100  }
0x40: {  	[sflag:s2] =	ssyncset.done $0x0  }
0x41: {  	s9 =	rddreg [dreg:$0x7];
	[sflag:s2] =	ssyncadd.s32 $0xFFFFCF00  }
0x42: {  	[tilespmem:s0], [sflag:$0x1] =	stream.linear.gather [hbm4b:s9+s1], $0x3100, $0x38;
	[tilespmem:$0x1CA00] =	vst v63  }
0x43: {  	_ =	swait.ge [sflag:s2], $0x3100  }
0x44: {  	[sflag:s2] =	ssyncset.done $0x0  }
0x45: {  	[sflag:s2] =	ssyncadd.s32 $0xFFFFCF00  }
0x46: {  	[spmem:s25] =	stream.linear.scatter [tilespmem:s0], [sflag:$0x1], $0x3100, $0x38;
	[tilespmem:$0x1CA00] =	vst v63  }
0x47: {  	_ =	swait.ge [sflag:s2], $0x3100  }
0x48: {  	[sflag:s2] =	ssyncset.done $0x0  }
0x49: {  	s10 =	rddreg [dreg:$0x8];
	[sflag:s2] =	ssyncadd.s32 $0xFFFFCF00  }
0x4a: {  	[tilespmem:s0], [sflag:$0x1] =	stream.linear.gather [hbm4b:s10+s1], $0x3100, $0x38;
	[tilespmem:$0x1CA00] =	vst v63  }
0x4b: {  	_ =	swait.ge [sflag:s2], $0x3100  }
0x4c: {  	[sflag:s2] =	ssyncset.done $0x0  }
0x4d: {  	[sflag:s2] =	ssyncadd.s32 $0xFFFFCF00  }
0x4e: {  	[spmem:s26] =	stream.linear.scatter [tilespmem:s0], [sflag:$0x1], $0x3100, $0x38;
	[tilespmem:$0x1CA00] =	vst v63  }
0x4f: {  	_ =	swait.ge [sflag:s2], $0x3100  }
0x50: {  	[sflag:s2] =	ssyncset.done $0x0  }
0x51: {  	s7 =	rddreg [dreg:$0x9];
	[sflag:s2] =	ssyncadd.s32 $0xFFFFCF00  }
0x52: {  	[tilespmem:s0], [sflag:$0x1] =	stream.linear.gather [hbm4b:s7+s1], $0x3100, $0x38;
	[tilespmem:$0x1CA00] =	vst v63  }
0x53: {  	_ =	swait.ge [sflag:s2], $0x3100  }
0x54: {  	[sflag:s2] =	ssyncset.done $0x0  }
0x55: {  	[sflag:s2] =	ssyncadd.s32 $0xFFFFCF00  }
0x56: {  	[spmem:s28] =	stream.linear.scatter [tilespmem:s0], [sflag:$0x1], $0x3100, $0x38;
	[tilespmem:$0x1CA00] =	vst v63  }
0x57: {  	_ =	swait.ge [sflag:s2], $0x3100  }
0x58: {  	[sflag:s2] =	ssyncset.done $0x0  }
0x59: {  	s8 =	rddreg [dreg:$0xa];
	[sflag:s2] =	ssyncadd.s32 $0xFFFFCF00  }
0x5a: {  	[tilespmem:s0], [sflag:$0x1] =	stream.linear.gather [hbm4b:s8+s1], $0x3100, $0x38;
	[tilespmem:$0x1CA00] =	vst v63  }
0x5b: {  	_ =	swait.ge [sflag:s2], $0x3100  }
0x5c: {  	[sflag:s2] =	ssyncset.done $0x0  }
0x5d: {  	[sflag:s2] =	ssyncadd.s32 $0xFFFFCF00  }
0x5e: {  	[spmem:s29] =	stream.linear.scatter [tilespmem:s0], [sflag:$0x1], $0x3100, $0x38;
	[tilespmem:$0x1CA00] =	vst v63  }
0x5f: {  	_ =	swait.ge [sflag:s2], $0x3100  }
0x60: {  	[sflag:s2] =	ssyncset.done $0x0  }
0x61: {  	[sflag:s2] =	ssyncadd.s32 $0xFFFFCF00  }
0x62: {  	s9 =	sadd.s32 $0x0, s17;
	[bflag:$0x0] =	sbarrier.arrive $0xFFFF  }
0x63: {  	[tilespmem:s1], [sflag:$0x1] =	stream.linear.gather [hbm4b:s9+s1], $0x80, $0x38;
	[tilespmem:$0x1CA00] =	vst v63  }
0x64: {  	_ =	swait.ge [sflag:s2], $0x80  }
0x65: {  	[sflag:s2] =	ssyncset.done $0x0  }
0x66: {  	s10 =	sadd.s32 $0x0, s31;
	[sflag:s2] =	ssyncadd.s32 $0xFFFFFF80  }
0x67: {  	[tilespmem:s3], [sflag:$0x1] =	stream.linear.gather [hbm4b:s10+s1], $0x80, $0x38;
	[tilespmem:$0x1CA00] =	vst v63  }
0x68: {  	_ =	swait.ge [sflag:s2], $0x80  }
0x69: {  	[sflag:s2] =	ssyncset.done $0x0  }
0x6a: {  	[sflag:s2] =	ssyncadd.s32 $0xFFFFFF80  }
0x6b: {  	[tilespmem:s4], [sflag:$0x1] =	stream.indirect.gather [hbm4b:s20+s3], $0x20, s1, s3, $0xb8;
	[tilespmem:$0x1CA00] =	vst v63  }
0x6c: {  	_ =	swait.ge [sflag:s2], $0x1000  }
0x6d: {  	[sflag:s2] =	ssyncset.done $0x0  }
0x6e: {  	[sflag:s2] =	ssyncadd.s32 $0xFFFFF000  }
0x6f: {  	[spmem:s19] =	stream.indirect.scatter.add.f32 [tilespmem:s4], [sflag:$0x1], $0x20, s3, s3, $0xb8;
	[tilespmem:$0x1CA00] =	vst v63  }
0x70: {  	_ =	swait.ge [sflag:s2], $0x1000  }
0x71: {  	s6 =	simm.s32 $0x10;
	s7 =	simm.s32 $0x20;
	[sflag:s2] =	ssyncset.done $0x0  }
.LBB2_2:
0x72: {  	s8 =	sadd.s32 s6, s17  }
0x73: {  	[sflag:s2] =	ssyncadd.s32 $0xFFFFF000;
	s9 =	smov.u32 s7;
	s10 =	sadd.s32 $0x10, s7  }
0x74: {  	[tilespmem:s1], [sflag:$0x1] =	stream.linear.gather [hbm4b:s8+s1], $0x80, $0x38;
	[tilespmem:$0x1CA00] =	vst v63  }
0x75: {  	p0 =	sne.s32 s7, $0x1870;
	_ =	swait.ge [sflag:s2], $0x80  }
0x76: {  	[sflag:s2] =	ssyncset.done $0x0  }
0x77: {  	s7 =	sadd.s32 s6, s31;
	s6 =	smov.u32 s9;
	[sflag:s2] =	ssyncadd.s32 $0xFFFFFF80  }
0x78: {  	[tilespmem:s3], [sflag:$0x1] =	stream.linear.gather [hbm4b:s7+s1], $0x80, $0x38;
	[tilespmem:$0x1CA00] =	vst v63  }
0x79: {  	_ =	swait.ge [sflag:s2], $0x80  }
0x7a: {  	[sflag:s2] =	ssyncset.done $0x0  }
0x7b: {  	[sflag:s2] =	ssyncadd.s32 $0xFFFFFF80  }
0x7c: {  	[tilespmem:s4], [sflag:$0x1] =	stream.indirect.gather [hbm4b:s20+s3], $0x20, s1, s3, $0xb8;
	[tilespmem:$0x1CA00] =	vst v63  }
0x7d: {  	_ =	swait.ge [sflag:s2], $0x1000  }
.Ltmp0:
0x7e: {  	[sflag:s2] =	ssyncset.done $0x0;
	(pc) =	sbr.rel @p0 .LBB2_2-.Ltmp0, $4  }
0x7f: {  	[sflag:s2] =	ssyncadd.s32 $0xFFFFF000  }
0x80: {  	[spmem:s19] =	stream.indirect.scatter.add.f32 [tilespmem:s4], [sflag:$0x1], $0x20, s3, s3, $0xb8;
	[tilespmem:$0x1CA00] =	vst v63  }
0x81: {  	_ =	swait.ge [sflag:s2], $0x1000  }
0x82: {  	s7 =	smov.u32 s10;
	[sflag:s2] =	ssyncset.done $0x0  }
0x83: {  	s7 =	sadd.s32 s6, s17;
	[sflag:s2] =	ssyncadd.s32 $0xFFFFF000  }
0x84: {  	[tilespmem:s1], [sflag:$0x1] =	stream.linear.gather [hbm4b:s7+s1], $0x80, $0x38;
	[tilespmem:$0x1CA00] =	vst v63  }
0x85: {  	_ =	swait.ge [sflag:s2], $0x80  }
0x86: {  	[sflag:s2] =	ssyncset.done $0x0  }
0x87: {  	s9 =	sadd.s32 s6, s31;
	[sflag:s2] =	ssyncadd.s32 $0xFFFFFF80  }
0x88: {  	[tilespmem:s3], [sflag:$0x1] =	stream.linear.gather [hbm4b:s9+s1], $0x80, $0x38;
	[tilespmem:$0x1CA00] =	vst v63  }
0x89: {  	_ =	swait.ge [sflag:s2], $0x80  }
0x8a: {  	[sflag:s2] =	ssyncset.done $0x0  }
0x8b: {  	[sflag:s2] =	ssyncadd.s32 $0xFFFFFF80  }
0x8c: {  	[tilespmem:s4], [sflag:$0x1] =	stream.indirect.gather [hbm4b:s20+s3], $0x20, s1, s3, $0xb8;
	[tilespmem:$0x1CA00] =	vst v63  }
0x8d: {  	_ =	swait.ge [sflag:s2], $0x1000  }
0x8e: {  	[sflag:s2] =	ssyncset.done $0x0  }
0x8f: {  	[sflag:s2] =	ssyncadd.s32 $0xFFFFF000  }
0x90: {  	[spmem:s19] =	stream.indirect.scatter.add.f32 [tilespmem:s4], [sflag:$0x1], $0x20, s3, s3, $0xb8;
	[tilespmem:$0x1CA00] =	vst v63  }
0x91: {  	_ =	swait.ge [sflag:s2], $0x1000  }
0x92: {  	[sflag:s2] =	ssyncset.done $0x0  }
0x93: {  	[sflag:s2] =	ssyncadd.s32 $0xFFFFF000  }
0x94: {  	[bflag:$0x0] =	sbarrier.arrive $0xFFFF  }
0x95: {  	[tilespmem:s0], [sflag:$0x1] =	stream.linear.gather [spmem:s21], $0x3100, $0x38;
	[tilespmem:$0x1CA00] =	vst v63  }
0x96: {  	_ =	swait.ge [sflag:s2], $0x3100  }
0x97: {  	[sflag:s2] =	ssyncset.done $0x0  }
0x98: {  	s10 =	rddreg [dreg:$0xb];
	[sflag:s2] =	ssyncadd.s32 $0xFFFFCF00  }
0x99: {  	[hbm4b:s10+s1] =	stream.linear.scatter [tilespmem:s0], [sflag:$0x1], $0x3100, $0x38;
	[tilespmem:$0x1CA00] =	vst v63  }
0x9a: {  	_ =	swait.ge [sflag:s2], $0x3100  }
0x9b: {  	[sflag:s2] =	ssyncset.done $0x0  }
0x9c: {  	[sflag:s2] =	ssyncadd.s32 $0xFFFFCF00  }
0x9d: {  	[tilespmem:s0], [sflag:$0x1] =	stream.linear.gather [spmem:s22], $0x3100, $0x38;
	[tilespmem:$0x1CA00] =	vst v63  }
0x9e: {  	_ =	swait.ge [sflag:s2], $0x3100  }
0x9f: {  	[sflag:s2] =	ssyncset.done $0x0  }
0xa0: {  	[sflag:s2] =	ssyncadd.s32 $0xFFFFCF00  }
0xa1: {  	[hbm4b:s11+s1] =	stream.linear.scatter [tilespmem:s0], [sflag:$0x1], $0x3100, $0x38;
	[tilespmem:$0x1CA00] =	vst v63  }
0xa2: {  	_ =	swait.ge [sflag:s2], $0x3100  }
0xa3: {  	[sflag:s2] =	ssyncset.done $0x0  }
0xa4: {  	[sflag:s2] =	ssyncadd.s32 $0xFFFFCF00  }
0xa5: {  	[tilespmem:s0], [sflag:$0x1] =	stream.linear.gather [spmem:s23], $0x3100, $0x38;
	[tilespmem:$0x1CA00] =	vst v63  }
0xa6: {  	_ =	swait.ge [sflag:s2], $0x3100  }
0xa7: {  	[sflag:s2] =	ssyncset.done $0x0  }
0xa8: {  	[sflag:s2] =	ssyncadd.s32 $0xFFFFCF00  }
0xa9: {  	[hbm4b:s12+s1] =	stream.linear.scatter [tilespmem:s0], [sflag:$0x1], $0x3100, $0x38;
	[tilespmem:$0x1CA00] =	vst v63  }
0xaa: {  	_ =	swait.ge [sflag:s2], $0x3100  }
0xab: {  	[sflag:s2] =	ssyncset.done $0x0  }
0xac: {  	[sflag:s2] =	ssyncadd.s32 $0xFFFFCF00  }
0xad: {  	[tilespmem:s0], [sflag:$0x1] =	stream.linear.gather [spmem:s24], $0x3100, $0x38;
	[tilespmem:$0x1CA00] =	vst v63  }
0xae: {  	_ =	swait.ge [sflag:s2], $0x3100  }
0xaf: {  	[sflag:s2] =	ssyncset.done $0x0  }
0xb0: {  	[sflag:s2] =	ssyncadd.s32 $0xFFFFCF00  }
0xb1: {  	[hbm4b:s13+s1] =	stream.linear.scatter [tilespmem:s0], [sflag:$0x1], $0x3100, $0x38;
	[tilespmem:$0x1CA00] =	vst v63  }
0xb2: {  	_ =	swait.ge [sflag:s2], $0x3100  }
0xb3: {  	[sflag:s2] =	ssyncset.done $0x0  }
0xb4: {  	[sflag:s2] =	ssyncadd.s32 $0xFFFFCF00  }
0xb5: {  	[tilespmem:s0], [sflag:$0x1] =	stream.linear.gather [spmem:s25], $0x3100, $0x38;
	[tilespmem:$0x1CA00] =	vst v63  }
0xb6: {  	_ =	swait.ge [sflag:s2], $0x3100  }
0xb7: {  	[sflag:s2] =	ssyncset.done $0x0  }
0xb8: {  	[sflag:s2] =	ssyncadd.s32 $0xFFFFCF00  }
0xb9: {  	[hbm4b:s14+s1] =	stream.linear.scatter [tilespmem:s0], [sflag:$0x1], $0x3100, $0x38;
	[tilespmem:$0x1CA00] =	vst v63  }
0xba: {  	_ =	swait.ge [sflag:s2], $0x3100  }
0xbb: {  	[sflag:s2] =	ssyncset.done $0x0  }
0xbc: {  	[sflag:s2] =	ssyncadd.s32 $0xFFFFCF00  }
0xbd: {  	[tilespmem:s0], [sflag:$0x1] =	stream.linear.gather [spmem:s26], $0x3100, $0x38;
	[tilespmem:$0x1CA00] =	vst v63  }
0xbe: {  	_ =	swait.ge [sflag:s2], $0x3100  }
0xbf: {  	[sflag:s2] =	ssyncset.done $0x0  }
0xc0: {  	[sflag:s2] =	ssyncadd.s32 $0xFFFFCF00  }
0xc1: {  	[hbm4b:s15+s1] =	stream.linear.scatter [tilespmem:s0], [sflag:$0x1], $0x3100, $0x38;
	[tilespmem:$0x1CA00] =	vst v63  }
0xc2: {  	_ =	swait.ge [sflag:s2], $0x3100  }
0xc3: {  	[sflag:s2] =	ssyncset.done $0x0  }
0xc4: {  	[sflag:s2] =	ssyncadd.s32 $0xFFFFCF00  }
0xc5: {  	[tilespmem:s0], [sflag:$0x1] =	stream.linear.gather [spmem:s28], $0x3100, $0x38;
	[tilespmem:$0x1CA00] =	vst v63  }
0xc6: {  	_ =	swait.ge [sflag:s2], $0x3100  }
0xc7: {  	[sflag:s2] =	ssyncset.done $0x0  }
0xc8: {  	[sflag:s2] =	ssyncadd.s32 $0xFFFFCF00  }
0xc9: {  	[hbm4b:s16+s1] =	stream.linear.scatter [tilespmem:s0], [sflag:$0x1], $0x3100, $0x38;
	[tilespmem:$0x1CA00] =	vst v63  }
0xca: {  	_ =	swait.ge [sflag:s2], $0x3100  }
0xcb: {  	[sflag:s2] =	ssyncset.done $0x0  }
0xcc: {  	[sflag:s2] =	ssyncadd.s32 $0xFFFFCF00  }
0xcd: {  	[tilespmem:s0], [sflag:$0x1] =	stream.linear.gather [spmem:s29], $0x3100, $0x38;
	[tilespmem:$0x1CA00] =	vst v63  }
0xce: {  	s5 =	sadd.s32 $0x1, s5;
	_ =	swait.ge [sflag:s2], $0x3100  }
0xcf: {  	p0 =	sne.s32 s5, s30;
	[sflag:s2] =	ssyncset.done $0x0  }
.Ltmp1:
0xd0: {  	[sflag:s2] =	ssyncadd.s32 $0xFFFFCF00;
	(pc) =	sbr.rel @p0 .LBB2_1-.Ltmp1, $4  }
0xd1: {  	[hbm4b:s18+s1] =	stream.linear.scatter [tilespmem:s0], [sflag:$0x1], $0x3100, $0x38;
	[tilespmem:$0x1CA00] =	vst v63  }
0xd2: {  	_ =	swait.ge [sflag:s2], $0x3100  }
0xd3: {  	[sflag:s2] =	ssyncset.done $0x0  }
0xd4: {  	[sflag:s2] =	ssyncadd.s32 $0xFFFFCF00  }
0xd5: {  	_ =	sfence.sel $0x180000  }
0xd6: {  	[bflag:$0x0] =	sbarrier.arrive $0xFFFF  }
0xd7: {  	_ =	strace $0x9000004A  }
0xd8: {  	s0 =	stileid.u32;
	[bflag:$0x2] =	sbarrier.arrive $0xFFFF  }
0xd9: {  	p0 =	sne.s32 s0, $0x0;
	s0 =	rddreg [dreg:$0x2]  }
0xda: {  	s0 =	sadd.s32 @!p0 $0x100000, s0  }
0xdb: {  	[sflag:s0] =	ssyncadd.tile.s32 @!p0 $0x1;
	_ =	shalt  }
.Lfunc_end2:
_tile_overlayer_lowered:
.L_overlay_start_2:
0xdc: {  	(tag) =	ssettag $0x2  }
0xdd: {  	s0 =	rddreg [dreg:$0x0];
	s2 =	stileid.u32  }
0xde: {  	s1 =	rddreg [dreg:$0x1];
	p0 =	sne.s32 s2, $0x0  }
0xdf: {  	s3 =	rddreg [dreg:$0x2];
	[bflag:$0x3] =	sbarrier.arrive $0xFFFF;
	s2 =	simm.s32 @!p0 $0x1C01  }
0xe0: {  	[timem:s3], [sflag:s2] =	dma.local @!p0 [hbm:s0], s1  }
0xe1: {  	s0 =	simm.s32 @!p0 $0x1  }
0xe2: {  	_ =	swait.ge @!p0 [sflag:s0], s1  }
0xe3: {  	s1 =	ssub.s32 @!p0 $0x0, s1;
	[sflag:s0] =	ssyncset.done @!p0 $0x0  }
0xe4: {  	[sflag:s0] =	ssyncadd.s32 @!p0 s1  }
0xe5: {  	[bflag:$0x3] =	sbarrier.arrive $0xFFFF  }
0xe6: {  	_ =	shalt  }

// kernel: kernel.14.cloned.1.call-start
scs
__scs_entry_jumppad:
0x0: {  	(pc) =	sbr.rel $0x88, $3  }
0x1: {  	(tag) =	ssettag $0x0;
	lr =	simm.s32 $0x1  }
0x2: {  	[smem:$0x3F9B] =	sst lr;
	_ =	strace $0xD0000000  }
0x3: {  	_ = 	snop  }
0x4: {  	_ = 	snop  }
0x5: {  	_ = 	snop  }
0x6: {  	_ = 	snop  }
0x7: {  	_ = 	snop  }
__scs_overlays_trampoline_lowered:
0x8: {  	[smem:$0x3FAA] =	sst s0  }
0x9: {  	[smem:$0x3FAB] =	sst s1  }
0xa: {  	[smem:$0x3FAC] =	sst s2  }
0xb: {  	[smem:$0x3FAD] =	sst s3  }
0xc: {  	[smem:$0x3FAE] =	sst s4  }
0xd: {  	[smem:$0x3FAF] =	sst s5  }
0xe: {  	[smem:$0x3FB0] =	sst s6  }
0xf: {  	[smem:$0x3FB1] =	sst s7  }
0x10: {  	[smem:$0x3FB2] =	sst s8  }
0x11: {  	[smem:$0x3FB3] =	sst s9;
	s0 =	simm.s32 @!p0 $0x0  }
0x12: {  	s1 =	sld [smem:$0x3F99];
	s0 =	simm.s32 @p0 $0x1  }
0x13: {  	[smem:$0x3FB4] =	sst s0;
	s0 =	simm.s32 @!p1 $0x0  }
0x14: {  	s2 =	sld [smem:$0x3F98];
	s0 =	simm.s32 @p1 $0x1  }
0x15: {  	[smem:$0x3FB5] =	sst s0;
	s0 =	simm.s32 @!p2 $0x0  }
0x16: {  	s3 =	sld [smem:$0x3FDB];
	s0 =	simm.s32 @p2 $0x1  }
0x17: {  	s4 =	simm.s32 $0x1BF5;
	[smem:$0x3FB7] =	sst s0  }
0x18: {  	s0 =	sld [smem:$0x3F9A];
	_ =	swait.ge [sflag:s4], $0x0  }
0x19: {  	s7 =	sld [smem:$0x3F9B]  }
0x1a: {  	s8 =	sadd.s32 $0xFFFFE003, lr  }
0x1b: {  	s9 =	sadd.s32 $0xFFFFFEF7, lr;
	s5 =	simm.s32 $0xFFFFFFFF;
	p2 =	slt.u32 s8, $0xFFFFF086  }
0x1c: {  	p1 =	slt.u32 s9, $0xF7A;
	s5 =	simm.s32 @!p2 $0x0  }
0x1d: {  	s5 =	simm.s32 @p1 $0x1;
	p0 =	seq.s32 s7, s2  }
0x1e: {  	s7 =	smul.u32 @!p0 $0xF7A, s2;
	p2 =	seq.s32 @!p0 s5, $0x0  }
0x1f: {  	s9 =	smul.u32 $0xF7A, s1;
	s8 =	simm.s32 @!p0 $0x1BF5;
	p2 =	por !p2, p0  }
0x20: {  	[sflag:s8] =	ssyncset.s32 @!p0 $0xFFFFF086;
	s6 =	sadd.s32 @!p0 s3, s7;
	s7 =	simm.s32 @!p0 $0x108  }
0x21: {  	s3 =	sadd.s32 s3, s9;
	s6 =	sadd.s32 @!p0 $0x88, s6;
	s7 =	simm.s32 @p2 $0x1082  }
0x22: {  	[simem:s7], [sflag:s8] =	dma.local @!p0 [hbm:s6], $0xF7A  }
0x23: {  	s9 =	sor.u32 $0xD0000000, s2;
	s6 =	simm.s32 $0x108;
	_ =	swait.ge @!p0 [sflag:s8], $0x0  }
0x24: {  	s3 =	sadd.s32 $0x88, s3;
	s6 =	simm.s32 @!p1 $0x1082;
	[sflag:s4] =	ssyncset.s32 $0xFFFFF086  }
0x25: {  	[simem:s6], [sflag:s4] =	dma.local [hbm:s3], $0xF7A  }
0x26: {  	[smem:$0x3F9B] =	sst s1;
	(tag) =	ssettag s2;
	_ =	strace s9  }
0x27: {  	s1 =	sld [smem:$0x3FAB]  }
0x28: {  	s2 =	sld [smem:$0x3FAC]  }
0x29: {  	s4 =	sld [smem:$0x3FAE]  }
0x2a: {  	p0 =	seq.s32 s5, $0x0;
	s5 =	sld [smem:$0x3FAF]  }
0x2b: {  	s6 =	sld [smem:$0x3FB0]  }
0x2c: {  	s7 =	sld [smem:$0x3FB1]  }
0x2d: {  	s3 =	simm.s32 $0x108;
	s8 =	sld [smem:$0x3FB2]  }
0x2e: {  	s3 =	simm.s32 @!p0 $0x1082;
	s9 =	sld [smem:$0x3FB3]  }
0x2f: {  	lr =	sadd.s32 s0, s3;
	s0 =	sld [smem:$0x3FAA]  }
0x30: {  	s3 =	sld [smem:$0x3FAD]  }
0x31: {  	[smem:$0x3FB6] =	sst s10  }
0x32: {  	s10 =	sld [smem:$0x3FB4];
	_ =	sdelay $0x3  }
0x33: {  	p0 =	seq.s32 s10, $0x1;
	s10 =	sld [smem:$0x3FB6];
	_ =	sdelay $0x3  }
0x34: {  	[smem:$0x3FB6] =	sst s10  }
0x35: {  	s10 =	sld [smem:$0x3FB5];
	_ =	sdelay $0x3  }
0x36: {  	p1 =	seq.s32 s10, $0x1;
	s10 =	sld [smem:$0x3FB6];
	_ =	sdelay $0x3  }
0x37: {  	[smem:$0x3FB6] =	sst s10  }
0x38: {  	s10 =	sld [smem:$0x3FB7]  }
0x39: {  	_ = 	snop;
	(pc) =	sbr.ind lr, $3  }
0x3a: {  	_ = 	snop  }
0x3b: {  	_ = 	snop  }
0x3c: {  	p2 =	seq.s32 s10, $0x1;
	s10 =	sld [smem:$0x3FB6]  }
0x3d: {  	_ =	shalt  }
0x3e: {  	_ =	shalt  }
0x3f: {  	_ =	shalt  }
0x40: {  	_ =	shalt  }
0x41: {  	_ =	shalt  }
0x42: {  	_ =	shalt  }
0x43: {  	_ =	shalt  }
0x44: {  	_ =	shalt  }
0x45: {  	_ =	shalt  }
0x46: {  	_ =	shalt  }
0x47: {  	_ =	shalt  }
0x48: {  	_ =	shalt  }
0x49: {  	_ =	shalt  }
0x4a: {  	_ =	shalt  }
0x4b: {  	_ =	shalt  }
0x4c: {  	_ =	shalt  }
0x4d: {  	_ =	shalt  }
0x4e: {  	_ =	shalt  }
0x4f: {  	_ =	shalt  }
0x50: {  	_ =	shalt  }
0x51: {  	_ =	shalt  }
0x52: {  	_ =	shalt  }
0x53: {  	_ =	shalt  }
0x54: {  	_ =	shalt  }
0x55: {  	_ =	shalt  }
0x56: {  	_ =	shalt  }
0x57: {  	_ =	shalt  }
0x58: {  	_ =	shalt  }
0x59: {  	_ =	shalt  }
0x5a: {  	_ =	shalt  }
0x5b: {  	_ =	shalt  }
0x5c: {  	_ =	shalt  }
0x5d: {  	_ =	shalt  }
0x5e: {  	_ =	shalt  }
0x5f: {  	_ =	shalt  }
0x60: {  	_ =	shalt  }
0x61: {  	_ =	shalt  }
0x62: {  	_ =	shalt  }
0x63: {  	_ =	shalt  }
0x64: {  	_ =	shalt  }
0x65: {  	_ =	shalt  }
0x66: {  	_ =	shalt  }
0x67: {  	_ =	shalt  }
0x68: {  	_ =	shalt  }
0x69: {  	_ =	shalt  }
0x6a: {  	_ =	shalt  }
0x6b: {  	_ =	shalt  }
0x6c: {  	_ =	shalt  }
0x6d: {  	_ =	shalt  }
0x6e: {  	_ =	shalt  }
0x6f: {  	_ =	shalt  }
0x70: {  	_ =	shalt  }
0x71: {  	_ =	shalt  }
0x72: {  	_ =	shalt  }
0x73: {  	_ =	shalt  }
0x74: {  	_ =	shalt  }
0x75: {  	_ =	shalt  }
0x76: {  	_ =	shalt  }
0x77: {  	_ =	shalt  }
0x78: {  	_ =	shalt  }
0x79: {  	_ =	shalt  }
0x7a: {  	_ =	shalt  }
0x7b: {  	_ =	shalt  }
0x7c: {  	_ =	shalt  }
0x7d: {  	_ =	shalt  }
0x7e: {  	_ =	shalt  }
0x7f: {  	_ =	shalt  }
0x80: {  	_ =	shalt  }
0x81: {  	_ =	shalt  }
0x82: {  	_ =	shalt  }
0x83: {  	_ =	shalt  }
0x84: {  	_ =	shalt  }
0x85: {  	_ =	shalt  }
0x86: {  	_ =	shalt  }
0x87: {  	_ =	shalt  }
.Lfunc_end0:
.L_simem_size_0:
called_computation.2_lowered:
.L_overlay_start_0:
0x88: {  	s2 =	sld [smem:$0x3FD9]  }
0x89: {  	s3 =	sld [smem:$0x3FFE];
	_ =	sdelay $0x1  }
0x8a: {  	s1 =	srdreg.scid  }
0x8b: {  	s0 =	sand.u32 $0x1, s1  }
0x8c: {  	s16 =	sshll.u32 s0, $0xA;
	s2 =	sadd.s32 s3, s2  }
0x8d: {  	s2 =	sadd.s32 s2, s16  }
0x8e: {  	[smem:$0x3FC2] =	sst s2  }
0x8f: {  	_ = 	snop  }
0x90: {  	(tm) =	ssettm $0x1  }
0x91: {  	s17 =	sld [smem:$0x3FFB];
	_ =	sdelay $0x3  }
0x92: {  	_ =	strace s17  }
0x93: {  	s2 =	sld [smem:$0x3FFC];
	_ =	sdelay $0x3  }
0x94: {  	_ =	strace s2  }
0x95: {  	s2 =	sld [smem:$0x3FFD];
	_ =	sdelay $0x3  }
0x96: {  	_ =	strace s2  }
0x97: {  	_ =	strace $0x8FFFFFFF  }
0x98: {  	s18 =	sld [smem:$0x3FDB];
	_ =	sdelay $0x1  }
0x99: {  	s19 =	simm.s32 $_scs_section_size  }
0x9a: {  	s4 =	simm.s32 $_size__tile_overlayer_lowered;
	s5 =	simm.s32 $_tile_overlayer_lowered  }
0x9b: {  	s22 =	simm.s32 $0x1BFF;
	s21 =	sshll.u32 s5, $0x1;
	s2 =	sadd.s32 s19, s18  }
0x9c: {  	s6 =	simm.s32 $0x0;
	s20 =	sshll.u32 s4, $0x1;
	s4 =	sadd.s32 s21, s2  }
0x9d: {  	[timem:s6], [sflag:s22] =	dma.local [hbm:s4], s20  }
0x9e: {  	_ =	swait.ge [sflag:s22], s20  }
0x9f: {  	s3 =	ssub.s32 $0x0, s20;
	[sflag:s22] =	ssyncset.done $0x0  }
0xa0: {  	[sflag:s22] =	ssyncadd.s32 s3;
	_ =	sdelay $0x1  }
0xa1: {  	s23 =	simm.s32 $0x1B8B  }
0xa2: {  	_ =	swait.ge [sflag:s23], $0x1  }
0xa3: {  	[sflag:s23] =	ssyncset.done $0x0  }
0xa4: {  	s25 =	simm.s32 $0x1B8E;
	s24 =	sld [smem:$0x3FFE];
	[sflag:s23] =	ssyncadd.s32 $0xFFFFFFFF  }
0xa5: {  	s26 =	simm.s32 $execute0_lowered;
	[smem:$0x3FD2] =	sst s25  }
0xa6: {  	s4 =	sshll.u32 s26, $0x1;
	_ =	strace $0x8000004C;
	[dreg:$0x1] =	wrdreg $0xFFFFFFFF  }
0xa7: {  	s28 =	simm.s32 $_size_execute0_lowered;
	s2 =	sadd.s32 s2, s4;
	[dreg:$0x0] =	wrdreg $0x0  }
0xa8: {  	s4 =	sshll.u32 s28, $0x1;
	[dreg:$0x2] =	wrdreg s2  }
0xa9: {  	[dreg:$0x3] =	wrdreg s4  }
0xaa: {  	[dreg:$0x4] =	wrdreg $0xC0  }
0xab: {  	_ =	task [dreg:s6], $0x5FFFF  }
0xac: {  	[dreg:$0x1] =	wrdreg $0xFFFFFFFF  }
0xad: {  	[dreg:$0x0] =	wrdreg $0x60  }
0xae: {  	[dreg:$0x2] =	wrdreg s24  }
0xaf: {  	[dreg:$0x3] =	wrdreg $0xCD000  }
0xb0: {  	[dreg:$0x4] =	wrdreg $0x9  }
0xb1: {  	_ =	task.clear_ibuf [dreg:s6], $0x5FFFF;
	_ =	strace $0x9000004C  }
0xb2: {  	s29 =	simm.s32 $0x9;
	_ =	strace $0x8000004E  }
0xb3: {  	_ =	swait.ge [sflag:s29], $0x1  }
0xb4: {  	[sflag:s29] =	ssyncadd.s32 $0xFFFFFFFF  }
0xb5: {  	_ =	strace $0x9000004E  }
0xb6: {  	_ =	sfence  }
0xb7: {  	s30 =	sld [smem:$0x0];
	_ =	sdelay $0x2  }
0xb8: {  	s31 =	sshll.u32 s1, $0xD;
	s1 =	sshrl.u32 s1, $0x2  }
0xb9: {  	s3 =	sand.u32 $0x4000, s31;
	s1 =	sadd.s32 s1, s30  }
0xba: {  	s0 =	sor.u32 s3, s0;
	s1 =	sshll.u32 s1, $0x11  }
0xbb: {  	s0 =	sor.u32 s1, s0  }
0xbc: {  	s0 =	sadd.s32 $0x8F2B, s0  }
0xbd: {  	[sflag:s0] =	ssyncadd.remote.s32 $0x1  }
0xbe: {  	_ =	sfence.sel $0xFFFF  }
0xbf: {  	[dreg:$0x0] =	wrdreg $0xFFFFFFFF;
	(pc) =	sbr.abs _section_cstart, $3  }
0xc0: {  	[dreg:$0x1] =	wrdreg $0xFFFFFFFF  }
0xc1: {  	_ =	task.clear_ibuf [dreg:s6], $0x2FFFF;
	_ =	strace $0x9FFFFFFF  }
0xc2: {  	(tm) =	ssettm $0x7FFFFFFF  }
0xc3: {  	_ =	shalt  }
tec
execute0_lowered:
.L_overlay_start_1:
0x0: {  	(tag) =	ssettag $0x1  }
0x1: {  	s1 =	srdreg.scid;
	s5 =	rddreg [dreg:$0x0]  }
0x2: {  	s0 =	stileid.u32;
	s2 =	rddreg [dreg:$0x1];
	s3 =	simm.s32 $0x0  }
0x3: {  	s12 =	simm.s32 $0x1;
	s13 =	simm.s32 $0x80;
	s14 =	simm.s32 $0x100  }
0x4: {  	s6 =	sand.u32 $0x1, s1;
	s7 =	smul.u32 $0xC400, s0;
	s1 =	rddreg [dreg:$0x2]  }
0x5: {  	s15 =	simm.s32 $0x0;
	[smem:$0x7FF] =	sst s3;
	s4 =	smul.u32 $0x6200, s6  }
0x6: {  	s8 =	smul.u32 $0xC4000, s6;
	_ =	strace $0x8000004D;
	s6 =	ssub.s32 $0x2, s6  }
0x7: {  	s30 =	sshrl.u32 s7, $0x3;
	s31 =	sshrl.u32 s6, $0x1;
	s4 =	sadd.s32 s4, s7  }
0x8: {  	s8 =	sadd.s32 s7, s8;
	s11 =	ssub.s32 s6, s31;
	s6 =	sadd.s32 s7, s2  }
0x9: {  	s9 =	sshrl.u32 s4, $0x3;
	s4 =	sadd.s32 $0xFB400, s5;
	s8 =	sshrl.u32 s8, $0x3  }
0xa: {  	s10 =	sadd.s32 s9, s5;
	s9 =	sadd.s32 s30, s5;
	s8 =	sadd.s32 s8, s5  }
0xb: {  	s5 =	sadd.s32 $0x113C00, s9;
	s7 =	sadd.s32 $0x12C400, s8;
	s8 =	smax.u32 s11, $0x1  }
0xc: {  	s9 =	sadd.s32 $0x2200, s10;
	s10 =	sadd.s32 $0xE2C00, s10;
	s11 =	simm.s32 $0x900  }
.LBB2_1:
0xd: {  	[tilespmem:s11], [sflag:$0x1] =	stream.linear.gather [hbm4b:s5+s3], $0xC400, $0x38;
	[tilespmem:$0x19100] =	vst v63  }
0xe: {  	_ =	swait.ge [sflag:s12], $0xC400  }
0xf: {  	[sflag:s12] =	ssyncset.done $0x0  }
0x10: {  	[sflag:s12] =	ssyncadd.s32 $0xFFFF3C00  }
0x11: {  	[spmem:s6] =	stream.linear.scatter [tilespmem:s11], [sflag:$0x1], $0xC400, $0x38;
	[tilespmem:$0x19100] =	vst v63  }
0x12: {  	_ =	swait.ge [sflag:s12], $0xC400  }
0x13: {  	[sflag:s12] =	ssyncset.done $0x0  }
0x14: {  	[sflag:s12] =	ssyncadd.s32 $0xFFFF3C00  }
0x15: {  	s16 =	sadd.s32 $0x0, s10;
	[bflag:$0x0] =	sbarrier.arrive $0xFFFF  }
0x16: {  	[tilespmem:s3], [sflag:$0x1] =	stream.linear.gather [hbm4b:s16+s3], $0x80, $0x38;
	[tilespmem:$0x19100] =	vst v63  }
0x17: {  	_ =	swait.ge [sflag:s12], $0x80  }
0x18: {  	[sflag:s12] =	ssyncset.done $0x0  }
0x19: {  	s31 =	sadd.s32 $0x0, s9;
	[sflag:s12] =	ssyncadd.s32 $0xFFFFFF80  }
0x1a: {  	[tilespmem:s13], [sflag:$0x1] =	stream.linear.gather [hbm4b:s31+s3], $0x80, $0x38;
	[tilespmem:$0x19100] =	vst v63  }
0x1b: {  	_ =	swait.ge [sflag:s12], $0x80  }
0x1c: {  	[sflag:s12] =	ssyncset.done $0x0  }
0x1d: {  	[sflag:s12] =	ssyncadd.s32 $0xFFFFFF80  }
0x1e: {  	[tilespmem:s14], [sflag:$0x1] =	stream.indirect.gather [hbm4b:s4+s13], $0x10, s3, s13, $0xb8;
	[tilespmem:$0x19100] =	vst v63  }
0x1f: {  	_ =	swait.ge [sflag:s12], $0x800  }
0x20: {  	[sflag:s12] =	ssyncset.done $0x0  }
0x21: {  	[sflag:s12] =	ssyncadd.s32 $0xFFFFF800  }
0x22: {  	[spmem:s2] =	stream.indirect.scatter.add.f32 [tilespmem:s14], [sflag:$0x1], $0x10, s13, s13, $0xb8;
	[tilespmem:$0x19100] =	vst v63  }
0x23: {  	_ =	swait.ge [sflag:s12], $0x800  }
0x24: {  	s17 =	simm.s32 $0x20;
	s16 =	simm.s32 $0x10;
	[sflag:s12] =	ssyncset.done $0x0  }
.LBB2_2:
0x25: {  	s18 =	sadd.s32 s16, s10  }
0x26: {  	[sflag:s12] =	ssyncadd.s32 $0xFFFFF800;
	s19 =	smov.u32 s17;
	s20 =	sadd.s32 $0x10, s17  }
0x27: {  	[tilespmem:s3], [sflag:$0x1] =	stream.linear.gather [hbm4b:s18+s3], $0x80, $0x38;
	[tilespmem:$0x19100] =	vst v63  }
0x28: {  	p0 =	sne.s32 s17, $0xC30;
	_ =	swait.ge [sflag:s12], $0x80  }
0x29: {  	[sflag:s12] =	ssyncset.done $0x0  }
0x2a: {  	s17 =	sadd.s32 s16, s9;
	s16 =	smov.u32 s19;
	[sflag:s12] =	ssyncadd.s32 $0xFFFFFF80  }
0x2b: {  	[tilespmem:s13], [sflag:$0x1] =	stream.linear.gather [hbm4b:s17+s3], $0x80, $0x38;
	[tilespmem:$0x19100] =	vst v63  }
0x2c: {  	_ =	swait.ge [sflag:s12], $0x80  }
0x2d: {  	[sflag:s12] =	ssyncset.done $0x0  }
0x2e: {  	[sflag:s12] =	ssyncadd.s32 $0xFFFFFF80  }
0x2f: {  	[tilespmem:s14], [sflag:$0x1] =	stream.indirect.gather [hbm4b:s4+s13], $0x10, s3, s13, $0xb8;
	[tilespmem:$0x19100] =	vst v63  }
0x30: {  	_ =	swait.ge [sflag:s12], $0x800  }
.Ltmp0:
0x31: {  	[sflag:s12] =	ssyncset.done $0x0;
	(pc) =	sbr.rel @p0 .LBB2_2-.Ltmp0, $4  }
0x32: {  	[sflag:s12] =	ssyncadd.s32 $0xFFFFF800  }
0x33: {  	[spmem:s2] =	stream.indirect.scatter.add.f32 [tilespmem:s14], [sflag:$0x1], $0x10, s13, s13, $0xb8;
	[tilespmem:$0x19100] =	vst v63  }
0x34: {  	_ =	swait.ge [sflag:s12], $0x800  }
0x35: {  	s17 =	smov.u32 s20;
	[sflag:s12] =	ssyncset.done $0x0  }
0x36: {  	s17 =	sadd.s32 s16, s10;
	[sflag:s12] =	ssyncadd.s32 $0xFFFFF800  }
0x37: {  	[tilespmem:s3], [sflag:$0x1] =	stream.linear.gather [hbm4b:s17+s3], $0x80, $0x38;
	[tilespmem:$0x19100] =	vst v63  }
0x38: {  	_ =	swait.ge [sflag:s12], $0x80  }
0x39: {  	[sflag:s12] =	ssyncset.done $0x0  }
0x3a: {  	s31 =	sadd.s32 s16, s9;
	[sflag:s12] =	ssyncadd.s32 $0xFFFFFF80  }
0x3b: {  	[tilespmem:s13], [sflag:$0x1] =	stream.linear.gather [hbm4b:s31+s3], $0x80, $0x38;
	[tilespmem:$0x19100] =	vst v63  }
0x3c: {  	_ =	swait.ge [sflag:s12], $0x80  }
0x3d: {  	[sflag:s12] =	ssyncset.done $0x0  }
0x3e: {  	[sflag:s12] =	ssyncadd.s32 $0xFFFFFF80  }
0x3f: {  	[tilespmem:s14], [sflag:$0x1] =	stream.indirect.gather [hbm4b:s4+s13], $0x10, s3, s13, $0xb8;
	[tilespmem:$0x19100] =	vst v63  }
0x40: {  	_ =	swait.ge [sflag:s12], $0x800  }
0x41: {  	[sflag:s12] =	ssyncset.done $0x0  }
0x42: {  	[sflag:s12] =	ssyncadd.s32 $0xFFFFF800  }
0x43: {  	[spmem:s2] =	stream.indirect.scatter.add.f32 [tilespmem:s14], [sflag:$0x1], $0x10, s13, s13, $0xb8;
	[tilespmem:$0x19100] =	vst v63  }
0x44: {  	_ =	swait.ge [sflag:s12], $0x800  }
0x45: {  	[sflag:s12] =	ssyncset.done $0x0  }
0x46: {  	[sflag:s12] =	ssyncadd.s32 $0xFFFFF800  }
0x47: {  	[bflag:$0x0] =	sbarrier.arrive $0xFFFF  }
0x48: {  	[tilespmem:s11], [sflag:$0x1] =	stream.linear.gather [spmem:s6], $0xC400, $0x38;
	[tilespmem:$0x19100] =	vst v63  }
0x49: {  	s15 =	sadd.s32 $0x1, s15;
	_ =	swait.ge [sflag:s12], $0xC400  }
0x4a: {  	p0 =	sne.s32 s15, s8;
	[sflag:s12] =	ssyncset.done $0x0  }
.Ltmp1:
0x4b: {  	[sflag:s12] =	ssyncadd.s32 $0xFFFF3C00;
	(pc) =	sbr.rel @p0 .LBB2_1-.Ltmp1, $4  }
0x4c: {  	[hbm4b:s7+s3] =	stream.linear.scatter [tilespmem:s11], [sflag:$0x1], $0xC400, $0x38;
	[tilespmem:$0x19100] =	vst v63  }
0x4d: {  	_ =	swait.ge [sflag:s12], $0xC400  }
0x4e: {  	[sflag:s12] =	ssyncset.done $0x0  }
0x4f: {  	[sflag:s12] =	ssyncadd.s32 $0xFFFF3C00  }
0x50: {  	_ =	sfence.sel $0x180000  }
0x51: {  	[bflag:$0x0] =	sbarrier.arrive $0xFFFF  }
0x52: {  	p0 =	sne.s32 s0, $0x0;
	_ =	strace $0x9000004D  }
0x53: {  	s0 =	sadd.s32 @!p0 $0x100000, s1;
	[bflag:$0x2] =	sbarrier.arrive $0xFFFF  }
0x54: {  	[sflag:s0] =	ssyncadd.tile.s32 @!p0 $0x1;
	_ =	shalt  }
.Lfunc_end2:
_tile_overlayer_lowered:
.L_overlay_start_2:
0x55: {  	(tag) =	ssettag $0x2  }
0x56: {  	s0 =	rddreg [dreg:$0x0];
	s2 =	stileid.u32  }
0x57: {  	s1 =	rddreg [dreg:$0x1];
	p0 =	sne.s32 s2, $0x0  }
0x58: {  	s3 =	rddreg [dreg:$0x2];
	[bflag:$0x3] =	sbarrier.arrive $0xFFFF;
	s2 =	simm.s32 @!p0 $0x1C01  }
0x59: {  	[timem:s3], [sflag:s2] =	dma.local @!p0 [hbm:s0], s1  }
0x5a: {  	s0 =	simm.s32 @!p0 $0x1  }
0x5b: {  	_ =	swait.ge @!p0 [sflag:s0], s1  }
0x5c: {  	s1 =	ssub.s32 @!p0 $0x0, s1;
	[sflag:s0] =	ssyncset.done @!p0 $0x0  }
0x5d: {  	[sflag:s0] =	ssyncadd.s32 @!p0 s1  }
0x5e: {  	[bflag:$0x3] =	sbarrier.arrive $0xFFFF  }
0x5f: {  	_ =	shalt  }

// kernel: kernel.8.cloned.1.call-start
scs
__scs_entry_jumppad:
0x0: {  	(pc) =	sbr.rel $0x88, $3  }
0x1: {  	(tag) =	ssettag $0x0;
	lr =	simm.s32 $0x1  }
0x2: {  	[smem:$0x3F9B] =	sst lr;
	_ =	strace $0xD0000000  }
0x3: {  	_ = 	snop  }
0x4: {  	_ = 	snop  }
0x5: {  	_ = 	snop  }
0x6: {  	_ = 	snop  }
0x7: {  	_ = 	snop  }
__scs_overlays_trampoline_lowered:
0x8: {  	[smem:$0x3FAA] =	sst s0  }
0x9: {  	[smem:$0x3FAB] =	sst s1  }
0xa: {  	[smem:$0x3FAC] =	sst s2  }
0xb: {  	[smem:$0x3FAD] =	sst s3  }
0xc: {  	[smem:$0x3FAE] =	sst s4  }
0xd: {  	[smem:$0x3FAF] =	sst s5  }
0xe: {  	[smem:$0x3FB0] =	sst s6  }
0xf: {  	[smem:$0x3FB1] =	sst s7  }
0x10: {  	[smem:$0x3FB2] =	sst s8  }
0x11: {  	[smem:$0x3FB3] =	sst s9;
	s0 =	simm.s32 @!p0 $0x0  }
0x12: {  	s1 =	sld [smem:$0x3F99];
	s0 =	simm.s32 @p0 $0x1  }
0x13: {  	[smem:$0x3FB4] =	sst s0;
	s0 =	simm.s32 @!p1 $0x0  }
0x14: {  	s2 =	sld [smem:$0x3F98];
	s0 =	simm.s32 @p1 $0x1  }
0x15: {  	[smem:$0x3FB5] =	sst s0;
	s0 =	simm.s32 @!p2 $0x0  }
0x16: {  	s3 =	sld [smem:$0x3FDB];
	s0 =	simm.s32 @p2 $0x1  }
0x17: {  	s4 =	simm.s32 $0x1BF5;
	[smem:$0x3FB7] =	sst s0  }
0x18: {  	s0 =	sld [smem:$0x3F9A];
	_ =	swait.ge [sflag:s4], $0x0  }
0x19: {  	s7 =	sld [smem:$0x3F9B]  }
0x1a: {  	s8 =	sadd.s32 $0xFFFFE003, lr  }
0x1b: {  	s9 =	sadd.s32 $0xFFFFFEF7, lr;
	s5 =	simm.s32 $0xFFFFFFFF;
	p2 =	slt.u32 s8, $0xFFFFF086  }
0x1c: {  	p1 =	slt.u32 s9, $0xF7A;
	s5 =	simm.s32 @!p2 $0x0  }
0x1d: {  	s5 =	simm.s32 @p1 $0x1;
	p0 =	seq.s32 s7, s2  }
0x1e: {  	s7 =	smul.u32 @!p0 $0xF7A, s2;
	p2 =	seq.s32 @!p0 s5, $0x0  }
0x1f: {  	s9 =	smul.u32 $0xF7A, s1;
	s8 =	simm.s32 @!p0 $0x1BF5;
	p2 =	por !p2, p0  }
0x20: {  	[sflag:s8] =	ssyncset.s32 @!p0 $0xFFFFF086;
	s6 =	sadd.s32 @!p0 s3, s7;
	s7 =	simm.s32 @!p0 $0x108  }
0x21: {  	s3 =	sadd.s32 s3, s9;
	s6 =	sadd.s32 @!p0 $0x88, s6;
	s7 =	simm.s32 @p2 $0x1082  }
0x22: {  	[simem:s7], [sflag:s8] =	dma.local @!p0 [hbm:s6], $0xF7A  }
0x23: {  	s9 =	sor.u32 $0xD0000000, s2;
	s6 =	simm.s32 $0x108;
	_ =	swait.ge @!p0 [sflag:s8], $0x0  }
0x24: {  	s3 =	sadd.s32 $0x88, s3;
	s6 =	simm.s32 @!p1 $0x1082;
	[sflag:s4] =	ssyncset.s32 $0xFFFFF086  }
0x25: {  	[simem:s6], [sflag:s4] =	dma.local [hbm:s3], $0xF7A  }
0x26: {  	[smem:$0x3F9B] =	sst s1;
	(tag) =	ssettag s2;
	_ =	strace s9  }
0x27: {  	s1 =	sld [smem:$0x3FAB]  }
0x28: {  	s2 =	sld [smem:$0x3FAC]  }
0x29: {  	s4 =	sld [smem:$0x3FAE]  }
0x2a: {  	p0 =	seq.s32 s5, $0x0;
	s5 =	sld [smem:$0x3FAF]  }
0x2b: {  	s6 =	sld [smem:$0x3FB0]  }
0x2c: {  	s7 =	sld [smem:$0x3FB1]  }
0x2d: {  	s3 =	simm.s32 $0x108;
	s8 =	sld [smem:$0x3FB2]  }
0x2e: {  	s3 =	simm.s32 @!p0 $0x1082;
	s9 =	sld [smem:$0x3FB3]  }
0x2f: {  	lr =	sadd.s32 s0, s3;
	s0 =	sld [smem:$0x3FAA]  }
0x30: {  	s3 =	sld [smem:$0x3FAD]  }
0x31: {  	[smem:$0x3FB6] =	sst s10  }
0x32: {  	s10 =	sld [smem:$0x3FB4];
	_ =	sdelay $0x3  }
0x33: {  	p0 =	seq.s32 s10, $0x1;
	s10 =	sld [smem:$0x3FB6];
	_ =	sdelay $0x3  }
0x34: {  	[smem:$0x3FB6] =	sst s10  }
0x35: {  	s10 =	sld [smem:$0x3FB5];
	_ =	sdelay $0x3  }
0x36: {  	p1 =	seq.s32 s10, $0x1;
	s10 =	sld [smem:$0x3FB6];
	_ =	sdelay $0x3  }
0x37: {  	[smem:$0x3FB6] =	sst s10  }
0x38: {  	s10 =	sld [smem:$0x3FB7]  }
0x39: {  	_ = 	snop;
	(pc) =	sbr.ind lr, $3  }
0x3a: {  	_ = 	snop  }
0x3b: {  	_ = 	snop  }
0x3c: {  	p2 =	seq.s32 s10, $0x1;
	s10 =	sld [smem:$0x3FB6]  }
0x3d: {  	_ =	shalt  }
0x3e: {  	_ =	shalt  }
0x3f: {  	_ =	shalt  }
0x40: {  	_ =	shalt  }
0x41: {  	_ =	shalt  }
0x42: {  	_ =	shalt  }
0x43: {  	_ =	shalt  }
0x44: {  	_ =	shalt  }
0x45: {  	_ =	shalt  }
0x46: {  	_ =	shalt  }
0x47: {  	_ =	shalt  }
0x48: {  	_ =	shalt  }
0x49: {  	_ =	shalt  }
0x4a: {  	_ =	shalt  }
0x4b: {  	_ =	shalt  }
0x4c: {  	_ =	shalt  }
0x4d: {  	_ =	shalt  }
0x4e: {  	_ =	shalt  }
0x4f: {  	_ =	shalt  }
0x50: {  	_ =	shalt  }
0x51: {  	_ =	shalt  }
0x52: {  	_ =	shalt  }
0x53: {  	_ =	shalt  }
0x54: {  	_ =	shalt  }
0x55: {  	_ =	shalt  }
0x56: {  	_ =	shalt  }
0x57: {  	_ =	shalt  }
0x58: {  	_ =	shalt  }
0x59: {  	_ =	shalt  }
0x5a: {  	_ =	shalt  }
0x5b: {  	_ =	shalt  }
0x5c: {  	_ =	shalt  }
0x5d: {  	_ =	shalt  }
0x5e: {  	_ =	shalt  }
0x5f: {  	_ =	shalt  }
0x60: {  	_ =	shalt  }
0x61: {  	_ =	shalt  }
0x62: {  	_ =	shalt  }
0x63: {  	_ =	shalt  }
0x64: {  	_ =	shalt  }
0x65: {  	_ =	shalt  }
0x66: {  	_ =	shalt  }
0x67: {  	_ =	shalt  }
0x68: {  	_ =	shalt  }
0x69: {  	_ =	shalt  }
0x6a: {  	_ =	shalt  }
0x6b: {  	_ =	shalt  }
0x6c: {  	_ =	shalt  }
0x6d: {  	_ =	shalt  }
0x6e: {  	_ =	shalt  }
0x6f: {  	_ =	shalt  }
0x70: {  	_ =	shalt  }
0x71: {  	_ =	shalt  }
0x72: {  	_ =	shalt  }
0x73: {  	_ =	shalt  }
0x74: {  	_ =	shalt  }
0x75: {  	_ =	shalt  }
0x76: {  	_ =	shalt  }
0x77: {  	_ =	shalt  }
0x78: {  	_ =	shalt  }
0x79: {  	_ =	shalt  }
0x7a: {  	_ =	shalt  }
0x7b: {  	_ =	shalt  }
0x7c: {  	_ =	shalt  }
0x7d: {  	_ =	shalt  }
0x7e: {  	_ =	shalt  }
0x7f: {  	_ =	shalt  }
0x80: {  	_ =	shalt  }
0x81: {  	_ =	shalt  }
0x82: {  	_ =	shalt  }
0x83: {  	_ =	shalt  }
0x84: {  	_ =	shalt  }
0x85: {  	_ =	shalt  }
0x86: {  	_ =	shalt  }
0x87: {  	_ =	shalt  }
.Lfunc_end0:
.L_simem_size_0:
called_computation_lowered:
.L_overlay_start_0:
0x88: {  	s2 =	sld [smem:$0x3FD9]  }
0x89: {  	s3 =	sld [smem:$0x3FFE];
	_ =	sdelay $0x1  }
0x8a: {  	s1 =	srdreg.scid  }
0x8b: {  	s0 =	sand.u32 $0x1, s1  }
0x8c: {  	s16 =	sshll.u32 s0, $0xA;
	s2 =	sadd.s32 s3, s2  }
0x8d: {  	s2 =	sadd.s32 s2, s16  }
0x8e: {  	[smem:$0x3FC2] =	sst s2  }
0x8f: {  	_ = 	snop  }
0x90: {  	(tm) =	ssettm $0x1  }
0x91: {  	s17 =	sld [smem:$0x3FFB];
	_ =	sdelay $0x3  }
0x92: {  	_ =	strace s17  }
0x93: {  	s2 =	sld [smem:$0x3FFC];
	_ =	sdelay $0x3  }
0x94: {  	_ =	strace s2  }
0x95: {  	s2 =	sld [smem:$0x3FFD];
	_ =	sdelay $0x3  }
0x96: {  	_ =	strace s2  }
0x97: {  	_ =	strace $0x8FFFFFFF  }
0x98: {  	s18 =	sld [smem:$0x3FDB];
	_ =	sdelay $0x1  }
0x99: {  	s19 =	simm.s32 $_scs_section_size  }
0x9a: {  	s4 =	simm.s32 $_size__tile_overlayer_lowered;
	s5 =	simm.s32 $_tile_overlayer_lowered  }
0x9b: {  	s22 =	simm.s32 $0x1BFF;
	s21 =	sshll.u32 s5, $0x1;
	s2 =	sadd.s32 s19, s18  }
0x9c: {  	s6 =	simm.s32 $0x0;
	s20 =	sshll.u32 s4, $0x1;
	s4 =	sadd.s32 s21, s2  }
0x9d: {  	[timem:s6], [sflag:s22] =	dma.local [hbm:s4], s20  }
0x9e: {  	_ =	swait.ge [sflag:s22], s20  }
0x9f: {  	s3 =	ssub.s32 $0x0, s20;
	[sflag:s22] =	ssyncset.done $0x0  }
0xa0: {  	[sflag:s22] =	ssyncadd.s32 s3;
	_ =	sdelay $0x1  }
0xa1: {  	s23 =	simm.s32 $0x1B8B  }
0xa2: {  	_ =	swait.ge [sflag:s23], $0x1  }
0xa3: {  	[sflag:s23] =	ssyncset.done $0x0  }
0xa4: {  	s25 =	simm.s32 $0x1B8E;
	s24 =	sld [smem:$0x3FFE];
	[sflag:s23] =	ssyncadd.s32 $0xFFFFFFFF  }
0xa5: {  	s26 =	simm.s32 $execute0_lowered;
	[smem:$0x3FD2] =	sst s25  }
0xa6: {  	s4 =	sshll.u32 s26, $0x1;
	_ =	strace $0x80000046;
	[dreg:$0x1] =	wrdreg $0xFFFFFFFF  }
0xa7: {  	s28 =	simm.s32 $_size_execute0_lowered;
	s2 =	sadd.s32 s2, s4;
	[dreg:$0x0] =	wrdreg $0x0  }
0xa8: {  	s4 =	sshll.u32 s28, $0x1;
	[dreg:$0x2] =	wrdreg s2  }
0xa9: {  	[dreg:$0x3] =	wrdreg s4  }
0xaa: {  	[dreg:$0x4] =	wrdreg $0xC0  }
0xab: {  	_ =	task [dreg:s6], $0x5FFFF  }
0xac: {  	[dreg:$0x1] =	wrdreg $0xFFFFFFFF  }
0xad: {  	[dreg:$0x0] =	wrdreg $0x60  }
0xae: {  	[dreg:$0x2] =	wrdreg s24  }
0xaf: {  	[dreg:$0x3] =	wrdreg $0xD400  }
0xb0: {  	[dreg:$0x4] =	wrdreg $0x9  }
0xb1: {  	_ =	task.clear_ibuf [dreg:s6], $0x5FFFF;
	_ =	strace $0x90000046  }
0xb2: {  	s29 =	simm.s32 $0x9;
	_ =	strace $0x80000048  }
0xb3: {  	_ =	swait.ge [sflag:s29], $0x1  }
0xb4: {  	[sflag:s29] =	ssyncadd.s32 $0xFFFFFFFF  }
0xb5: {  	_ =	strace $0x90000048  }
0xb6: {  	_ =	sfence  }
0xb7: {  	s30 =	sld [smem:$0x0];
	_ =	sdelay $0x2  }
0xb8: {  	s31 =	sshll.u32 s1, $0xD;
	s1 =	sshrl.u32 s1, $0x2  }
0xb9: {  	s3 =	sand.u32 $0x4000, s31;
	s1 =	sadd.s32 s1, s30  }
0xba: {  	s0 =	sor.u32 s3, s0;
	s1 =	sshll.u32 s1, $0x11  }
0xbb: {  	s0 =	sor.u32 s1, s0  }
0xbc: {  	s0 =	sadd.s32 $0x8F2B, s0  }
0xbd: {  	[sflag:s0] =	ssyncadd.remote.s32 $0x1  }
0xbe: {  	_ =	sfence.sel $0xFFFF  }
0xbf: {  	[dreg:$0x0] =	wrdreg $0xFFFFFFFF;
	(pc) =	sbr.abs _section_cstart, $3  }
0xc0: {  	[dreg:$0x1] =	wrdreg $0xFFFFFFFF  }
0xc1: {  	_ =	task.clear_ibuf [dreg:s6], $0x2FFFF;
	_ =	strace $0x9FFFFFFF  }
0xc2: {  	(tm) =	ssettm $0x7FFFFFFF  }
0xc3: {  	_ =	shalt  }
tec
execute0_lowered:
.L_overlay_start_1:
0x0: {  	(tag) =	ssettag $0x1  }
0x1: {  	s1 =	srdreg.scid  }
0x2: {  	s0 =	stileid.u32;
	s4 =	rddreg [dreg:$0x0]  }
0x3: {  	s2 =	rddreg [dreg:$0x1];
	s3 =	simm.s32 $0x0;
	s6 =	smul.u32 $0xC400, s0  }
0x4: {  	s11 =	simm.s32 $0x80;
	s5 =	sand.u32 $0x1, s1;
	s8 =	smul.u32 $0xC40, s0  }
0x5: {  	s12 =	simm.s32 $0x0;
	[smem:$0x7FF] =	sst s3;
	s7 =	smul.u32 $0x6200, s5  }
0x6: {  	s1 =	rddreg [dreg:$0x2];
	s29 =	smul.u32 $0xC400, s5;
	_ =	strace $0x80000047  }
0x7: {  	s5 =	ssub.s32 $0x2, s5;
	s31 =	sshrl.u32 s8, $0x3;
	s6 =	sadd.s32 s7, s6  }
0x8: {  	s10 =	sshrl.u32 s5, $0x1;
	s30 =	sadd.s32 s8, s29;
	s6 =	sshrl.u32 s6, $0x3  }
0x9: {  	s7 =	sadd.s32 s31, s4;
	s9 =	sadd.s32 s6, s4;
	s6 =	sshrl.u32 s30, $0x3  }
0xa: {  	s10 =	ssub.s32 s5, s10;
	s5 =	sadd.s32 s8, s2;
	s6 =	sadd.s32 s6, s4  }
0xb: {  	s4 =	sadd.s32 $0x1AA00, s7;
	s7 =	smax.u32 s10, $0x1;
	s8 =	sadd.s32 $0x2200, s9  }
0xc: {  	v0 =	vimm.f32 $1.000000000e+00;
	s9 =	simm.s32 $0x100;
	s10 =	simm.s32 $0x1;
	s6 =	sadd.s32 $0x1C400, s6  }
.LBB2_1:
0xd: {  	[tilespmem:s9], [sflag:$0x1] =	stream.linear.gather [hbm4b:s4+s3], $0xC40, $0x38;
	[tilespmem:$0x1980] =	vst v63  }
0xe: {  	_ =	swait.ge [sflag:s10], $0xC40  }
0xf: {  	[sflag:s10] =	ssyncset.done $0x0  }
0x10: {  	[sflag:s10] =	ssyncadd.s32 $0xFFFFF3C0  }
0x11: {  	[spmem:s5] =	stream.linear.scatter [tilespmem:s9], [sflag:$0x1], $0xC40, $0x38;
	[tilespmem:$0x1980] =	vst v63  }
0x12: {  	_ =	swait.ge [sflag:s10], $0xC40  }
0x13: {  	[sflag:s10] =	ssyncset.done $0x0  }
0x14: {  	[sflag:s10] =	ssyncadd.s32 $0xFFFFF3C0  }
0x15: {  	[tilespmem:$0x80] =	vst v0  }
0x16: {  	[tilespmem:$0x90] =	vst v0  }
0x17: {  	[tilespmem:$0xA0] =	vst v0  }
0x18: {  	[tilespmem:$0xB0] =	vst v0  }
0x19: {  	[tilespmem:$0xC0] =	vst v0  }
0x1a: {  	[tilespmem:$0xD0] =	vst v0  }
0x1b: {  	[tilespmem:$0xE0] =	vst v0  }
0x1c: {  	[tilespmem:$0xF0] =	vst v0  }
0x1d: {  	s13 =	sadd.s32 $0x0, s8;
	[bflag:$0x0] =	sbarrier.arrive $0xFFFF  }
0x1e: {  	[tilespmem:s3], [sflag:$0x1] =	stream.linear.gather [hbm4b:s13+s3], $0x80, $0x38;
	[tilespmem:$0x1980] =	vst v63  }
0x1f: {  	_ =	swait.ge [sflag:s10], $0x80  }
0x20: {  	[sflag:s10] =	ssyncset.done $0x0  }
0x21: {  	[sflag:s10] =	ssyncadd.s32 $0xFFFFFF80  }
0x22: {  	[spmem:s2] =	stream.indirect.scatter.add.f32 [tilespmem:s11], [sflag:$0x1], $0x1, s3, s11, $0xb8;
	[tilespmem:$0x1980] =	vst v63  }
0x23: {  	_ =	swait.ge [sflag:s10], $0x80  }
0x24: {  	s14 =	simm.s32 $0x20;
	s13 =	simm.s32 $0x10;
	[sflag:s10] =	ssyncset.done $0x0  }
.LBB2_2:
0x25: {  	s15 =	sadd.s32 s13, s8  }
0x26: {  	[sflag:s10] =	ssyncadd.s32 $0xFFFFFF80;
	s13 =	smov.u32 s14;
	s16 =	sadd.s32 $0x10, s14  }
0x27: {  	[tilespmem:s3], [sflag:$0x1] =	stream.linear.gather [hbm4b:s15+s3], $0x80, $0x38;
	[tilespmem:$0x1980] =	vst v63  }
0x28: {  	p0 =	sne.s32 s14, $0xC30;
	_ =	swait.ge [sflag:s10], $0x80  }
.Ltmp0:
0x29: {  	[sflag:s10] =	ssyncset.done $0x0;
	(pc) =	sbr.rel @p0 .LBB2_2-.Ltmp0, $4  }
0x2a: {  	[sflag:s10] =	ssyncadd.s32 $0xFFFFFF80  }
0x2b: {  	[spmem:s2] =	stream.indirect.scatter.add.f32 [tilespmem:s11], [sflag:$0x1], $0x1, s3, s11, $0xb8;
	[tilespmem:$0x1980] =	vst v63  }
0x2c: {  	_ =	swait.ge [sflag:s10], $0x80  }
0x2d: {  	s14 =	smov.u32 s16;
	[sflag:s10] =	ssyncset.done $0x0  }
0x2e: {  	s13 =	sadd.s32 s13, s8;
	[sflag:s10] =	ssyncadd.s32 $0xFFFFFF80  }
0x2f: {  	[tilespmem:s3], [sflag:$0x1] =	stream.linear.gather [hbm4b:s13+s3], $0x80, $0x38;
	[tilespmem:$0x1980] =	vst v63  }
0x30: {  	_ =	swait.ge [sflag:s10], $0x80  }
0x31: {  	[sflag:s10] =	ssyncset.done $0x0  }
0x32: {  	[sflag:s10] =	ssyncadd.s32 $0xFFFFFF80  }
0x33: {  	[spmem:s2] =	stream.indirect.scatter.add.f32 [tilespmem:s11], [sflag:$0x1], $0x1, s3, s11, $0xb8;
	[tilespmem:$0x1980] =	vst v63  }
0x34: {  	_ =	swait.ge [sflag:s10], $0x80  }
0x35: {  	[sflag:s10] =	ssyncset.done $0x0  }
0x36: {  	[sflag:s10] =	ssyncadd.s32 $0xFFFFFF80  }
0x37: {  	[bflag:$0x0] =	sbarrier.arrive $0xFFFF  }
0x38: {  	[tilespmem:s9], [sflag:$0x1] =	stream.linear.gather [spmem:s5], $0xC40, $0x38;
	[tilespmem:$0x1980] =	vst v63  }
0x39: {  	s12 =	sadd.s32 $0x1, s12;
	_ =	swait.ge [sflag:s10], $0xC40  }
0x3a: {  	p0 =	sne.s32 s12, s7;
	[sflag:s10] =	ssyncset.done $0x0  }
.Ltmp1:
0x3b: {  	[sflag:s10] =	ssyncadd.s32 $0xFFFFF3C0;
	(pc) =	sbr.rel @p0 .LBB2_1-.Ltmp1, $4  }
0x3c: {  	[hbm4b:s6+s3] =	stream.linear.scatter [tilespmem:s9], [sflag:$0x1], $0xC40, $0x38;
	[tilespmem:$0x1980] =	vst v63  }
0x3d: {  	_ =	swait.ge [sflag:s10], $0xC40  }
0x3e: {  	[sflag:s10] =	ssyncset.done $0x0  }
0x3f: {  	[sflag:s10] =	ssyncadd.s32 $0xFFFFF3C0  }
0x40: {  	_ =	sfence.sel $0x180000  }
0x41: {  	[bflag:$0x0] =	sbarrier.arrive $0xFFFF  }
0x42: {  	p0 =	sne.s32 s0, $0x0;
	_ =	strace $0x90000047  }
0x43: {  	s0 =	sadd.s32 @!p0 $0x100000, s1;
	[bflag:$0x2] =	sbarrier.arrive $0xFFFF  }
0x44: {  	[sflag:s0] =	ssyncadd.tile.s32 @!p0 $0x1;
	_ =	shalt  }
.Lfunc_end2:
_tile_overlayer_lowered:
.L_overlay_start_2:
0x45: {  	(tag) =	ssettag $0x2  }
0x46: {  	s0 =	rddreg [dreg:$0x0];
	s2 =	stileid.u32  }
0x47: {  	s1 =	rddreg [dreg:$0x1];
	p0 =	sne.s32 s2, $0x0  }
0x48: {  	s3 =	rddreg [dreg:$0x2];
	[bflag:$0x3] =	sbarrier.arrive $0xFFFF;
	s2 =	simm.s32 @!p0 $0x1C01  }
0x49: {  	[timem:s3], [sflag:s2] =	dma.local @!p0 [hbm:s0], s1  }
0x4a: {  	s0 =	simm.s32 @!p0 $0x1  }
0x4b: {  	_ =	swait.ge @!p0 [sflag:s0], s1  }
0x4c: {  	s1 =	ssub.s32 @!p0 $0x0, s1;
	[sflag:s0] =	ssyncset.done @!p0 $0x0  }
0x4d: {  	[sflag:s0] =	ssyncadd.s32 @!p0 s1  }
0x4e: {  	[bflag:$0x3] =	sbarrier.arrive $0xFFFF  }
0x4f: {  	_ =	shalt  }

</sc_bundles>
